<compile_context>
chip_gen: v7x
topology: tpu7x:2x2x1
jax: 0.10.2.dev20260603
libtpu: 0.0.44.dev20260713+nightly
codegen_flags: <defaults>
</compile_context>

<pallas_src>
import functools

import jax
import jax.numpy as jnp
from jax import lax
from jax.experimental import pallas as pl
from jax.experimental.pallas import tpu as pltpu
from jax.experimental.pallas import tpu_sc as plsc

NC = 2
NS = 16
NW = NC * NS
LANES = 16
NORM = 100.0

_SC_PARAMS = pltpu.CompilerParams(needs_layout_passes=False)


def _precompute_body(h_ref, wa_ref, wb_ref, a_ref, b_ref):
    h = h_ref[...]
    a_ref[...] = jnp.dot(h, wa_ref[...],
                         preferred_element_type=jnp.float32).astype(jnp.bfloat16)
    b_ref[...] = jnp.dot(h, wb_ref[...],
                         preferred_element_type=jnp.float32).astype(jnp.bfloat16)


def _make_precompute(N, H, BN):
    return pl.pallas_call(
        _precompute_body,
        grid=(N // BN,),
        in_specs=[
            pl.BlockSpec((BN, H), lambda i: (i, 0)),
            pl.BlockSpec((H, H), lambda i: (0, 0)),
            pl.BlockSpec((H, H), lambda i: (0, 0)),
        ],
        out_specs=[
            pl.BlockSpec((BN, H), lambda i: (i, 0)),
            pl.BlockSpec((BN, H), lambda i: (i, 0)),
        ],
        out_shape=[
            jax.ShapeDtypeStruct((N, H), jnp.bfloat16),
            jax.ShapeDtypeStruct((N, H), jnp.bfloat16),
        ],
    )


def _make_gather(N, E, H, slot):
    H2 = H // 2
    E2 = E // 2
    epw = E2 // NW
    nslot = epw // slot
    npair = nslot // 2
    subs = []
    off = 0
    while off < slot:
        sz = min(128, slot - off)
        subs.append((off, sz))
        off += sz
    mesh = plsc.VectorSubcoreMesh(
        core_axis_name="c", subcore_axis_name="s",
        num_cores=NC, num_subcores=NS)

    @functools.partial(
        pl.kernel,
        out_type=jax.ShapeDtypeStruct((E2, H), jnp.float32),
        mesh=mesh,
        scratch_types=[
            [pltpu.VMEM((epw,), jnp.int32)] * 4,
            [[pltpu.VMEM((slot, H2), jnp.float32)] * 2] * 4,
            [[pltpu.SemaphoreType.DMA] * 2] * 4,
            [pltpu.SemaphoreType.DMA] * 2,
        ],
        compiler_params=pltpu.CompilerParams(needs_layout_passes=False,
                                             use_tc_tiling_on_sc=False),
    )
    def gather(row_hbm, col_hbm, a_hbm, b_hbm, g_hbm,
               idxs, bufs, sems, semo):
        wid = lax.axis_index("s") * NC + lax.axis_index("c")
        base = wid * epw
        pltpu.sync_copy(row_hbm.at[pl.ds(base, epw)], idxs[0])
        pltpu.sync_copy(col_hbm.at[pl.ds(base, epw)], idxs[1])
        pltpu.sync_copy(row_hbm.at[pl.ds(E2 + base, epw)], idxs[2])
        pltpu.sync_copy(col_hbm.at[pl.ds(E2 + base, epw)], idxs[3])
        tables = (a_hbm, b_hbm, a_hbm, b_hbm)

        def issue(c, k):
            coff = c * slot
            for q in range(4):
                for (o, sz) in subs:
                    pltpu.async_copy(
                        tables[q].at[idxs[q].at[pl.ds(coff + o, sz)]],
                        bufs[q][k].at[pl.ds(o, sz)], sems[q][k])

        def wait_gathers(k):
            for q in range(4):
                pltpu.make_async_copy(a_hbm.at[pl.ds(0, slot)], bufs[q][k],
                                      sems[q][k]).wait()

        def add(k):
            ba1, bb1, ba2, bb2 = (bufs[0][k], bufs[1][k], bufs[2][k],
                                  bufs[3][k])

            def add_row(j, c2):
                for kk in range(H2 // LANES):
                    sl = pl.ds(kk * LANES, LANES)
                    s1 = (plsc.bitcast(ba1[j, sl], jnp.bfloat16)
                          + plsc.bitcast(bb1[j, sl], jnp.bfloat16))
                    ba1[j, sl] = plsc.bitcast(s1, jnp.float32)
                    s2 = (plsc.bitcast(ba2[j, sl], jnp.bfloat16)
                          + plsc.bitcast(bb2[j, sl], jnp.bfloat16))
                    ba2[j, sl] = plsc.bitcast(s2, jnp.float32)
                return c2

            lax.fori_loop(0, slot, add_row, 0)

        def write_out(c, k):
            rows = pl.ds(base + c * slot, slot)
            w1 = pltpu.async_copy(bufs[0][k], g_hbm.at[rows, pl.ds(0, H2)],
                                  semo[k])
            w2 = pltpu.async_copy(bufs[2][k], g_hbm.at[rows, pl.ds(H2, H2)],
                                  semo[k])
            return w1, w2

        def process(c, k, refill):
            wait_gathers(k)
            add(k)
            w1, w2 = write_out(c, k)

            @pl.when(refill)
            def _():
                w1.wait()
                w2.wait()
                issue(c + 2, k)

        issue(0, 0)
        issue(1, 1)

        def body(i, carry):
            process(2 * i, 0, 2 * i + 2 <= nslot - 1)
            process(2 * i + 1, 1, 2 * i + 3 <= nslot - 1)
            return carry

        lax.fori_loop(0, npair, body, 0)
        if nslot % 2:
            wait_gathers(0)
            add(0)
            write_out(nslot - 1, 0)
        for k in range(2):
            pltpu.make_async_copy(a_hbm.at[pl.ds(0, slot)], bufs[0][k],
                                  semo[k]).wait()
            pltpu.make_async_copy(a_hbm.at[pl.ds(0, slot)], bufs[2][k],
                                  semo[k]).wait()

    return gather


def _edge_mlp_body(g_ref, eae_ref, eao_ref, cd_refs, w1ca_lo_ref, w1cb_lo_ref,
                   w1ca_hi_ref, w1cb_hi_ref, b1lo2_ref, b1hi2_ref,
                   w2t_top_ref, w2t_bot_ref, b2_ref, w3_ref, t_refs, H2=None):
    gu = lax.bitcast_convert_type(g_ref[...], jnp.uint32)
    xlo = lax.bitcast_convert_type(gu << jnp.uint32(16), jnp.float32)
    xhi = lax.bitcast_convert_type(gu & jnp.uint32(0xFFFF0000), jnp.float32)
    eae = eae_ref[...]
    eao = eao_ref[...]
    pre_lo = xlo + eae * w1ca_lo_ref[...] + eao * w1cb_lo_ref[...] \
        + b1lo2_ref[...]
    pre_hi = xhi + eae * w1ca_hi_ref[...] + eao * w1cb_hi_ref[...] \
        + b1hi2_ref[...]
    slo = pre_lo * jax.nn.sigmoid(pre_lo)
    shi = pre_hi * jax.nn.sigmoid(pre_hi)
    w2top = w2t_top_ref[...]
    w2bot = w2t_bot_ref[...]
    b2 = b2_ref[...]
    w3 = w3_ref[...]
    ms = []
    for half in (slice(0, H2), slice(H2, 2 * H2)):
        x2 = (jnp.dot(slo[:, half].astype(jnp.bfloat16), w2top,
                      preferred_element_type=jnp.float32)
              + jnp.dot(shi[:, half].astype(jnp.bfloat16), w2bot,
                        preferred_element_type=jnp.float32)) + b2
        x2 = x2 * jax.nn.sigmoid(x2)
        ms.append(lax.dot_general(w3, x2.astype(jnp.bfloat16),
                                  (((1,), (1,)), ((), ())),
                                  preferred_element_type=jnp.float32))
    for p in range(2):
        for c in range(3):
            t_refs[3 * p + c][...] = cd_refs[3 * p + c][...] * ms[p]


def _make_edge_mlp(E, H, D, BE2):
    E2 = E // 2
    H2 = H // 2
    row_spec = pl.BlockSpec((1, BE2), lambda i: (0, i))
    wvec = pl.BlockSpec((1, H), lambda i: (0, 0))

    def body(g_ref, eae_ref, eao_ref, cdxe, cdye, cdze, cdxo, cdyo, cdzo,
             w1ca_lo, w1cb_lo, w1ca_hi, w1cb_hi, b1lo2, b1hi2, w2t_top,
             w2t_bot, b2, w3, txe, tye, tze, txo, tyo, tzo):
        _edge_mlp_body(g_ref, eae_ref, eao_ref,
                       [cdxe, cdye, cdze, cdxo, cdyo, cdzo],
                       w1ca_lo, w1cb_lo, w1ca_hi, w1cb_hi, b1lo2, b1hi2,
                       w2t_top, w2t_bot, b2, w3,
                       [txe, tye, tze, txo, tyo, tzo], H2=H2)

    return pl.pallas_call(
        body,
        grid=(E2 // BE2,),
        in_specs=[
            pl.BlockSpec((BE2, H), lambda i: (i, 0)),
            pl.BlockSpec((BE2, D), lambda i: (i, 0)),
            pl.BlockSpec((BE2, D), lambda i: (i, 0)),
            row_spec, row_spec, row_spec,
            row_spec, row_spec, row_spec,
            wvec, wvec, wvec, wvec,
            wvec, wvec,
            pl.BlockSpec((H2, H), lambda i: (0, 0)),
            pl.BlockSpec((H2, H), lambda i: (0, 0)),
            wvec,
            wvec,
        ],
        out_specs=[row_spec] * 6,
        out_shape=[jax.ShapeDtypeStruct((1, E2), jnp.float32)] * 6,
    )


def _make_scatter(N, E):
    epw = E // NW
    ngrp = epw // LANES
    nzero = N // LANES
    mesh = plsc.VectorSubcoreMesh(
        core_axis_name="c", subcore_axis_name="s",
        num_cores=NC, num_subcores=NS)

    @functools.partial(
        pl.kernel,
        out_type=[jax.ShapeDtypeStruct((NW * N,), jnp.float32)] * 3,
        mesh=mesh,
        scratch_types=[
            pltpu.VMEM((epw,), jnp.int32),
            pltpu.VMEM((epw,), jnp.float32),
            pltpu.VMEM((epw,), jnp.float32),
            pltpu.VMEM((epw,), jnp.float32),
            pltpu.VMEM((N,), jnp.float32),
            pltpu.VMEM((N,), jnp.float32),
            pltpu.VMEM((N,), jnp.float32),
        ],
        compiler_params=_SC_PARAMS,
    )
    def scatter(row_hbm, tx_hbm, ty_hbm, tz_hbm, px_hbm, py_hbm, pz_hbm,
                idxv, tvx, tvy, tvz, ax, ay, az):
        wid = lax.axis_index("s") * NC + lax.axis_index("c")
        base = wid * epw
        pltpu.sync_copy(row_hbm.at[pl.ds(base, epw)], idxv)
        pltpu.sync_copy(tx_hbm.at[pl.ds(base, epw)], tvx)
        pltpu.sync_copy(ty_hbm.at[pl.ds(base, epw)], tvy)
        pltpu.sync_copy(tz_hbm.at[pl.ds(base, epw)], tvz)

        zeros = jnp.zeros((LANES,), jnp.float32)

        def zbody(i, carry):
            sl = pl.ds(i * LANES, LANES)
            ax[sl] = zeros
            ay[sl] = zeros
            az[sl] = zeros
            return carry

        lax.fori_loop(0, nzero, zbody, 0)

        def sbody(g, carry):
            sl = pl.ds(g * LANES, LANES)
            idx = idxv[sl]
            plsc.addupdate_scatter(ax, [idx], tvx[sl])
            plsc.addupdate_scatter(ay, [idx], tvy[sl])
            plsc.addupdate_scatter(az, [idx], tvz[sl])
            return carry

        lax.fori_loop(0, ngrp, sbody, 0)
        pltpu.sync_copy(ax, px_hbm.at[pl.ds(wid * N, N)])
        pltpu.sync_copy(ay, py_hbm.at[pl.ds(wid * N, N)])
        pltpu.sync_copy(az, pz_hbm.at[pl.ds(wid * N, N)])

    return scatter


def _combine_body(px_ref, py_ref, pz_ref, cx_ref, cy_ref, cz_ref,
                  ox_ref, oy_ref, oz_ref):
    scale = 1.0 / NORM
    ox_ref[...] = cx_ref[...] + jnp.sum(px_ref[...], axis=0,
                                        keepdims=True) * scale
    oy_ref[...] = cy_ref[...] + jnp.sum(py_ref[...], axis=0,
                                        keepdims=True) * scale
    oz_ref[...] = cz_ref[...] + jnp.sum(pz_ref[...], axis=0,
                                        keepdims=True) * scale


def _make_combine(N):
    part_spec = pl.BlockSpec((NW, N), lambda i: (0, 0))
    row_spec = pl.BlockSpec((1, N), lambda i: (0, 0))
    return pl.pallas_call(
        _combine_body,
        grid=(1,),
        in_specs=[part_spec, part_spec, part_spec, row_spec, row_spec,
                  row_spec],
        out_specs=[row_spec, row_spec, row_spec],
        out_shape=[jax.ShapeDtypeStruct((1, N), jnp.float32)] * 3,
    )


def kernel(h, coord, coord_diff, edge_attr, W1, b1, W2, b2, W3, edge_index):
    N, H = h.shape
    E = edge_index.shape[1]
    D = edge_attr.shape[1]

    H2 = H // 2
    E2 = E // 2
    wa = W1[:, :H].T
    wb = W1[:, H:2 * H].T
    w1c = W1[:, 2 * H:].reshape(H)
    row = edge_index[0]
    col = edge_index[1]

    def _pack(x16):
        xu = lax.bitcast_convert_type(x16, jnp.uint16).astype(jnp.uint32)
        return lax.bitcast_convert_type(
            xu[:, :H2] | (xu[:, H2:] << jnp.uint32(16)), jnp.float32)

    def _dup(v):
        return jnp.concatenate([v, v]).reshape(1, H)

    def _halfpad(v, hi):
        z = jnp.zeros_like(v)
        return jnp.concatenate([z, v] if hi else [v, z]).reshape(1, H)

    A, B = _make_precompute(N, H, 2000)(h, wa, wb)
    Gp = _make_gather(N, E, H, 200)(row, col, _pack(A), _pack(B))

    cd_e = coord_diff[:E2]
    cd_o = coord_diff[E2:]
    w2t = W2.T.astype(jnp.bfloat16)
    outs = _make_edge_mlp(E, H, D, 1280)(
        Gp, edge_attr[:E2], edge_attr[E2:],
        cd_e[:, 0].reshape(1, E2), cd_e[:, 1].reshape(1, E2),
        cd_e[:, 2].reshape(1, E2),
        cd_o[:, 0].reshape(1, E2), cd_o[:, 1].reshape(1, E2),
        cd_o[:, 2].reshape(1, E2),
        _halfpad(w1c[:H2], False), _halfpad(w1c[:H2], True),
        _halfpad(w1c[H2:], False), _halfpad(w1c[H2:], True),
        _dup(b1[:H2]), _dup(b1[H2:]),
        w2t[:H2], w2t[H2:], b2.reshape(1, H),
        W3.astype(jnp.bfloat16))
    txe, tye, tze, txo, tyo, tzo = outs
    row2 = row
    tx = jnp.concatenate([txe, txo], axis=1).reshape(E)
    ty = jnp.concatenate([tye, tyo], axis=1).reshape(E)
    tz = jnp.concatenate([tze, tzo], axis=1).reshape(E)
    px, py, pz = _make_scatter(N, E)(row2, tx, ty, tz)
    coordT = coord.T
    ox, oy, oz = _make_combine(N)(px.reshape(NW, N), py.reshape(NW, N),
                                  pz.reshape(NW, N),
                                  coordT[0].reshape(1, N),
                                  coordT[1].reshape(1, N),
                                  coordT[2].reshape(1, N))
    return jnp.concatenate([ox, oy, oz], axis=0).T

# --- scband reference (transcript-rebuilt; emitter-appended) ---
"""Pipeline reference for scband-equivariant-update-25829933318648 (READ-ONLY COPY).

The authoritative reference and input builder live on the scoring server;
editing this copy changes nothing except your own understanding.
"""

import jax, jax.numpy as jnp
import numpy as np

N = 10000
E = 320000
H = 128
D_EDGE = 1
NORM = 100.0


def silu(x):
    return x * jax.nn.sigmoid(x)


def setup_inputs(seed: int = 0) -> dict:
    key = jax.random.key(seed)
    ks = jax.random.split(key, 8)
    h = jax.random.normal(ks[0], (N, H), dtype=jnp.float32)
    coord = jax.random.normal(ks[1], (N, 3), dtype=jnp.float32)
    edge_index = jax.random.randint(ks[2], (2, E), 0, N, dtype=jnp.int32)
    coord_diff = jax.random.normal(ks[3], (E, 3), dtype=jnp.float32)
    edge_attr = jax.random.normal(ks[4], (E, D_EDGE), dtype=jnp.float32)
    input_edge = 2 * H + D_EDGE
    # coord_mlp params (torch Linear stores weight as [out, in])
    W1 = jax.random.normal(ks[5], (H, input_edge), dtype=jnp.float32) * (1.0 / np.sqrt(input_edge))
    b1 = jnp.zeros((H,), dtype=jnp.float32)
    W2 = jax.random.normal(ks[6], (H, H), dtype=jnp.float32) * (1.0 / np.sqrt(H))
    b2 = jnp.zeros((H,), dtype=jnp.float32)
    # final layer xavier_uniform with gain=0.001 -> tiny weights, no bias
    W3 = jax.random.normal(ks[7], (1, H), dtype=jnp.float32) * 0.001
    return {
        "h": h,
        "coord": coord,
        "coord_diff": coord_diff,
        "edge_attr": edge_attr,
        "W1": W1,
        "b1": b1,
        "W2": W2,
        "b2": b2,
        "W3": W3,
        "edge_index": edge_index,
    }


def reference(h, coord, coord_diff, edge_attr, W1, b1, W2, b2, W3, edge_index):
    row = edge_index[0]
    col = edge_index[1]
    # gather endpoint features per edge
    inp = jnp.concatenate([jnp.take(h, row, axis=0), jnp.take(h, col, axis=0), edge_attr], axis=1)
    x = silu(inp @ W1.T + b1)
    x = silu(x @ W2.T + b2)
    m = x @ W3.T  # [E, 1]
    trans = coord_diff * m  # tanh=False path
    # unsorted_segment_sum with aggregation 'sum' -> scatter-add then divide by normalization_factor
    agg = jax.ops.segment_sum(trans, row, num_segments=N) / NORM
    return coord + agg

if __name__ == "__main__":
    import jax
    _d = setup_inputs()
    print(jax.jit(kernel)(*tuple(_d.values())))

</pallas_src>

<mosaic_0001>
#map = affine_map<(d0, d1) -> (0)>
#map1 = affine_map<(d0, d1) -> (0, 0)>
module attributes {stable_mosaic.version = 14 : i64} {
  func.func @gather(%arg0: i32, %arg1: i32, %arg2: memref<320000xi32, #tpu.memory_space<hbm>>, %arg3: memref<320000xi32, #tpu.memory_space<hbm>>, %arg4: memref<10000x64xf32, #tpu.memory_space<hbm>>, %arg5: memref<10000x64xf32, #tpu.memory_space<hbm>>, %arg6: memref<160000x128xf32, #tpu.memory_space<hbm>>, %arg7: memref<5000xi32, #tpu.memory_space<vmem>>, %arg8: memref<5000xi32, #tpu.memory_space<vmem>>, %arg9: memref<5000xi32, #tpu.memory_space<vmem>>, %arg10: memref<5000xi32, #tpu.memory_space<vmem>>, %arg11: memref<200x64xf32, #tpu.memory_space<vmem>>, %arg12: memref<200x64xf32, #tpu.memory_space<vmem>>, %arg13: memref<200x64xf32, #tpu.memory_space<vmem>>, %arg14: memref<200x64xf32, #tpu.memory_space<vmem>>, %arg15: memref<200x64xf32, #tpu.memory_space<vmem>>, %arg16: memref<200x64xf32, #tpu.memory_space<vmem>>, %arg17: memref<200x64xf32, #tpu.memory_space<vmem>>, %arg18: memref<200x64xf32, #tpu.memory_space<vmem>>, %arg19: memref<!tpu.dma_semaphore, #tpu.memory_space<semaphore_mem>>, %arg20: memref<!tpu.dma_semaphore, #tpu.memory_space<semaphore_mem>>, %arg21: memref<!tpu.dma_semaphore, #tpu.memory_space<semaphore_mem>>, %arg22: memref<!tpu.dma_semaphore, #tpu.memory_space<semaphore_mem>>, %arg23: memref<!tpu.dma_semaphore, #tpu.memory_space<semaphore_mem>>, %arg24: memref<!tpu.dma_semaphore, #tpu.memory_space<semaphore_mem>>, %arg25: memref<!tpu.dma_semaphore, #tpu.memory_space<semaphore_mem>>, %arg26: memref<!tpu.dma_semaphore, #tpu.memory_space<semaphore_mem>>, %arg27: memref<!tpu.dma_semaphore, #tpu.memory_space<semaphore_mem>>, %arg28: memref<!tpu.dma_semaphore, #tpu.memory_space<semaphore_mem>>) attributes {dimension_semantics = [#tpu.dimension_semantics<core_parallel>, #tpu.dimension_semantics<subcore_parallel>], iteration_bounds = array<i64: 2, 16>, scalar_prefetch = 0 : i64, scratch_operands = 22 : i64, tpu.core_type = #tpu.core_type<sc_vector_subcore>, window_params = [{transform_indices = #map}, {transform_indices = #map}, {transform_indices = #map1}, {transform_indices = #map1}, {transform_indices = #map1}]} {
    %mul3A = arith.constant 2 : i32
    %mul3A_0 = arith.muli %arg1, %mul3A : i32
    %add3A = arith.addi %mul3A_0, %arg0 : i32
    %mul3A_1 = arith.constant 5000 : i32
    %mul3A_2 = arith.muli %add3A, %mul3A_1 : i32
    "tpu.region"() ({
      %run_scoped3A = tpu.sem_alloc : memref<!tpu.dma_semaphore, #tpu.memory_space<semaphore_mem>>
      %dma_start3A_202 = tpu.memref_slice %arg2[%mul3A_2] : memref<320000xi32, #tpu.memory_space<hbm>> -> memref<5000xi32, #tpu.memory_space<hbm>>
      %dma_start3A_203 = tpu.memref_slice %arg2[%mul3A_2] : memref<320000xi32, #tpu.memory_space<hbm>> -> memref<5000xi32, #tpu.memory_space<hbm>>
      tpu.enqueue_dma source(%dma_start3A_203 : memref<5000xi32, #tpu.memory_space<hbm>>) target(%arg7 : memref<5000xi32, #tpu.memory_space<vmem>>) target_semaphore(%run_scoped3A : memref<!tpu.dma_semaphore, #tpu.memory_space<semaphore_mem>>)
      %dma_wait3A_204 = tpu.memref_slice %arg2[%mul3A_2] : memref<320000xi32, #tpu.memory_space<hbm>> -> memref<5000xi32, #tpu.memory_space<hbm>>
      %dma_wait3A_205 = tpu.memref_slice %arg2[%mul3A_2] : memref<320000xi32, #tpu.memory_space<hbm>> -> memref<5000xi32, #tpu.memory_space<hbm>>
      tpu.wait_dma2 semaphore(%run_scoped3A : memref<!tpu.dma_semaphore, #tpu.memory_space<semaphore_mem>>) src(%dma_wait3A_205 : memref<5000xi32, #tpu.memory_space<hbm>>) dst(%arg7 : memref<5000xi32, #tpu.memory_space<vmem>>)
      tpu.yield
    }) : () -> ()
    "tpu.region"() ({
      %run_scoped3A = tpu.sem_alloc : memref<!tpu.dma_semaphore, #tpu.memory_space<semaphore_mem>>
      %dma_start3A_202 = tpu.memref_slice %arg3[%mul3A_2] : memref<320000xi32, #tpu.memory_space<hbm>> -> memref<5000xi32, #tpu.memory_space<hbm>>
      %dma_start3A_203 = tpu.memref_slice %arg3[%mul3A_2] : memref<320000xi32, #tpu.memory_space<hbm>> -> memref<5000xi32, #tpu.memory_space<hbm>>
      tpu.enqueue_dma source(%dma_start3A_203 : memref<5000xi32, #tpu.memory_space<hbm>>) target(%arg8 : memref<5000xi32, #tpu.memory_space<vmem>>) target_semaphore(%run_scoped3A : memref<!tpu.dma_semaphore, #tpu.memory_space<semaphore_mem>>)
      %dma_wait3A_204 = tpu.memref_slice %arg3[%mul3A_2] : memref<320000xi32, #tpu.memory_space<hbm>> -> memref<5000xi32, #tpu.memory_space<hbm>>
      %dma_wait3A_205 = tpu.memref_slice %arg3[%mul3A_2] : memref<320000xi32, #tpu.memory_space<hbm>> -> memref<5000xi32, #tpu.memory_space<hbm>>
      tpu.wait_dma2 semaphore(%run_scoped3A : memref<!tpu.dma_semaphore, #tpu.memory_space<semaphore_mem>>) src(%dma_wait3A_205 : memref<5000xi32, #tpu.memory_space<hbm>>) dst(%arg8 : memref<5000xi32, #tpu.memory_space<vmem>>)
      tpu.yield
    }) : () -> ()
    %add3A_3 = arith.constant 160000 : i32
    %add3A_4 = arith.addi %add3A_3, %mul3A_2 : i32
    "tpu.region"() ({
      %run_scoped3A = tpu.sem_alloc : memref<!tpu.dma_semaphore, #tpu.memory_space<semaphore_mem>>
      %dma_start3A_202 = tpu.memref_slice %arg2[%add3A_4] : memref<320000xi32, #tpu.memory_space<hbm>> -> memref<5000xi32, #tpu.memory_space<hbm>>
      %dma_start3A_203 = tpu.memref_slice %arg2[%add3A_4] : memref<320000xi32, #tpu.memory_space<hbm>> -> memref<5000xi32, #tpu.memory_space<hbm>>
      tpu.enqueue_dma source(%dma_start3A_203 : memref<5000xi32, #tpu.memory_space<hbm>>) target(%arg9 : memref<5000xi32, #tpu.memory_space<vmem>>) target_semaphore(%run_scoped3A : memref<!tpu.dma_semaphore, #tpu.memory_space<semaphore_mem>>)
      %dma_wait3A_204 = tpu.memref_slice %arg2[%add3A_4] : memref<320000xi32, #tpu.memory_space<hbm>> -> memref<5000xi32, #tpu.memory_space<hbm>>
      %dma_wait3A_205 = tpu.memref_slice %arg2[%add3A_4] : memref<320000xi32, #tpu.memory_space<hbm>> -> memref<5000xi32, #tpu.memory_space<hbm>>
      tpu.wait_dma2 semaphore(%run_scoped3A : memref<!tpu.dma_semaphore, #tpu.memory_space<semaphore_mem>>) src(%dma_wait3A_205 : memref<5000xi32, #tpu.memory_space<hbm>>) dst(%arg9 : memref<5000xi32, #tpu.memory_space<vmem>>)
      tpu.yield
    }) : () -> ()
    %add3A_5 = arith.constant 160000 : i32
    %add3A_6 = arith.addi %add3A_5, %mul3A_2 : i32
    "tpu.region"() ({
      %run_scoped3A = tpu.sem_alloc : memref<!tpu.dma_semaphore, #tpu.memory_space<semaphore_mem>>
      %dma_start3A_202 = tpu.memref_slice %arg3[%add3A_6] : memref<320000xi32, #tpu.memory_space<hbm>> -> memref<5000xi32, #tpu.memory_space<hbm>>
      %dma_start3A_203 = tpu.memref_slice %arg3[%add3A_6] : memref<320000xi32, #tpu.memory_space<hbm>> -> memref<5000xi32, #tpu.memory_space<hbm>>
      tpu.enqueue_dma source(%dma_start3A_203 : memref<5000xi32, #tpu.memory_space<hbm>>) target(%arg10 : memref<5000xi32, #tpu.memory_space<vmem>>) target_semaphore(%run_scoped3A : memref<!tpu.dma_semaphore, #tpu.memory_space<semaphore_mem>>)
      %dma_wait3A_204 = tpu.memref_slice %arg3[%add3A_6] : memref<320000xi32, #tpu.memory_space<hbm>> -> memref<5000xi32, #tpu.memory_space<hbm>>
      %dma_wait3A_205 = tpu.memref_slice %arg3[%add3A_6] : memref<320000xi32, #tpu.memory_space<hbm>> -> memref<5000xi32, #tpu.memory_space<hbm>>
      tpu.wait_dma2 semaphore(%run_scoped3A : memref<!tpu.dma_semaphore, #tpu.memory_space<semaphore_mem>>) src(%dma_wait3A_205 : memref<5000xi32, #tpu.memory_space<hbm>>) dst(%arg10 : memref<5000xi32, #tpu.memory_space<vmem>>)
      tpu.yield
    }) : () -> ()
    %dma_start3A = arith.constant 0 : i32
    %dma_start3A_7 = arith.constant 0 : i32
    %dma_start3A_8 = tpu.memref_slice %arg11[%dma_start3A, %dma_start3A_7] : memref<200x64xf32, #tpu.memory_space<vmem>> -> memref<128x64xf32, #tpu.memory_space<vmem>>
    %dma_start3A_9 = arith.constant 0 : i32
    %dma_start3A_10 = tpu.memref_slice %arg7[%dma_start3A_9] : memref<5000xi32, #tpu.memory_space<vmem>> -> memref<128xi32, #tpu.memory_space<vmem>>
    %dma_start3A_11 = arith.constant 0 : i32
    %dma_start3A_12 = arith.constant 0 : i32
    %dma_start3A_13 = tpu.memref_slice %arg4[%dma_start3A_11, %dma_start3A_12] : memref<10000x64xf32, #tpu.memory_space<hbm>> -> memref<10000x64xf32, #tpu.memory_space<hbm>>
    tpu.enqueue_indirect_dma source(%dma_start3A_13 : memref<10000x64xf32, #tpu.memory_space<hbm>>) target(%dma_start3A_8 : memref<128x64xf32, #tpu.memory_space<vmem>>) offsets(%dma_start3A_10 : memref<128xi32, #tpu.memory_space<vmem>>) semaphore(%arg19 : memref<!tpu.dma_semaphore, #tpu.memory_space<semaphore_mem>>)
    %dma_start3A_14 = arith.constant 128 : i32
    %dma_start3A_15 = arith.constant 0 : i32
    %dma_start3A_16 = tpu.memref_slice %arg11[%dma_start3A_14, %dma_start3A_15] : memref<200x64xf32, #tpu.memory_space<vmem>> -> memref<72x64xf32, #tpu.memory_space<vmem>>
    %dma_start3A_17 = arith.constant 128 : i32
    %dma_start3A_18 = tpu.memref_slice %arg7[%dma_start3A_17] : memref<5000xi32, #tpu.memory_space<vmem>> -> memref<72xi32, #tpu.memory_space<vmem>>
    %dma_start3A_19 = arith.constant 0 : i32
    %dma_start3A_20 = arith.constant 0 : i32
    %dma_start3A_21 = tpu.memref_slice %arg4[%dma_start3A_19, %dma_start3A_20] : memref<10000x64xf32, #tpu.memory_space<hbm>> -> memref<10000x64xf32, #tpu.memory_space<hbm>>
    tpu.enqueue_indirect_dma source(%dma_start3A_21 : memref<10000x64xf32, #tpu.memory_space<hbm>>) target(%dma_start3A_16 : memref<72x64xf32, #tpu.memory_space<vmem>>) offsets(%dma_start3A_18 : memref<72xi32, #tpu.memory_space<vmem>>) semaphore(%arg19 : memref<!tpu.dma_semaphore, #tpu.memory_space<semaphore_mem>>)
    %dma_start3A_22 = arith.constant 0 : i32
    %dma_start3A_23 = arith.constant 0 : i32
    %dma_start3A_24 = tpu.memref_slice %arg13[%dma_start3A_22, %dma_start3A_23] : memref<200x64xf32, #tpu.memory_space<vmem>> -> memref<128x64xf32, #tpu.memory_space<vmem>>
    %dma_start3A_25 = arith.constant 0 : i32
    %dma_start3A_26 = tpu.memref_slice %arg8[%dma_start3A_25] : memref<5000xi32, #tpu.memory_space<vmem>> -> memref<128xi32, #tpu.memory_space<vmem>>
    %dma_start3A_27 = arith.constant 0 : i32
    %dma_start3A_28 = arith.constant 0 : i32
    %dma_start3A_29 = tpu.memref_slice %arg5[%dma_start3A_27, %dma_start3A_28] : memref<10000x64xf32, #tpu.memory_space<hbm>> -> memref<10000x64xf32, #tpu.memory_space<hbm>>
    tpu.enqueue_indirect_dma source(%dma_start3A_29 : memref<10000x64xf32, #tpu.memory_space<hbm>>) target(%dma_start3A_24 : memref<128x64xf32, #tpu.memory_space<vmem>>) offsets(%dma_start3A_26 : memref<128xi32, #tpu.memory_space<vmem>>) semaphore(%arg21 : memref<!tpu.dma_semaphore, #tpu.memory_space<semaphore_mem>>)
    %dma_start3A_30 = arith.constant 128 : i32
    %dma_start3A_31 = arith.constant 0 : i32
    %dma_start3A_32 = tpu.memref_slice %arg13[%dma_start3A_30, %dma_start3A_31] : memref<200x64xf32, #tpu.memory_space<vmem>> -> memref<72x64xf32, #tpu.memory_space<vmem>>
    %dma_start3A_33 = arith.constant 128 : i32
    %dma_start3A_34 = tpu.memref_slice %arg8[%dma_start3A_33] : memref<5000xi32, #tpu.memory_space<vmem>> -> memref<72xi32, #tpu.memory_space<vmem>>
    %dma_start3A_35 = arith.constant 0 : i32
    %dma_start3A_36 = arith.constant 0 : i32
    %dma_start3A_37 = tpu.memref_slice %arg5[%dma_start3A_35, %dma_start3A_36] : memref<10000x64xf32, #tpu.memory_space<hbm>> -> memref<10000x64xf32, #tpu.memory_space<hbm>>
    tpu.enqueue_indirect_dma source(%dma_start3A_37 : memref<10000x64xf32, #tpu.memory_space<hbm>>) target(%dma_start3A_32 : memref<72x64xf32, #tpu.memory_space<vmem>>) offsets(%dma_start3A_34 : memref<72xi32, #tpu.memory_space<vmem>>) semaphore(%arg21 : memref<!tpu.dma_semaphore, #tpu.memory_space<semaphore_mem>>)
    %dma_start3A_38 = arith.constant 0 : i32
    %dma_start3A_39 = arith.constant 0 : i32
    %dma_start3A_40 = tpu.memref_slice %arg15[%dma_start3A_38, %dma_start3A_39] : memref<200x64xf32, #tpu.memory_space<vmem>> -> memref<128x64xf32, #tpu.memory_space<vmem>>
    %dma_start3A_41 = arith.constant 0 : i32
    %dma_start3A_42 = tpu.memref_slice %arg9[%dma_start3A_41] : memref<5000xi32, #tpu.memory_space<vmem>> -> memref<128xi32, #tpu.memory_space<vmem>>
    %dma_start3A_43 = arith.constant 0 : i32
    %dma_start3A_44 = arith.constant 0 : i32
    %dma_start3A_45 = tpu.memref_slice %arg4[%dma_start3A_43, %dma_start3A_44] : memref<10000x64xf32, #tpu.memory_space<hbm>> -> memref<10000x64xf32, #tpu.memory_space<hbm>>
    tpu.enqueue_indirect_dma source(%dma_start3A_45 : memref<10000x64xf32, #tpu.memory_space<hbm>>) target(%dma_start3A_40 : memref<128x64xf32, #tpu.memory_space<vmem>>) offsets(%dma_start3A_42 : memref<128xi32, #tpu.memory_space<vmem>>) semaphore(%arg23 : memref<!tpu.dma_semaphore, #tpu.memory_space<semaphore_mem>>)
    %dma_start3A_46 = arith.constant 128 : i32
    %dma_start3A_47 = arith.constant 0 : i32
    %dma_start3A_48 = tpu.memref_slice %arg15[%dma_start3A_46, %dma_start3A_47] : memref<200x64xf32, #tpu.memory_space<vmem>> -> memref<72x64xf32, #tpu.memory_space<vmem>>
    %dma_start3A_49 = arith.constant 128 : i32
    %dma_start3A_50 = tpu.memref_slice %arg9[%dma_start3A_49] : memref<5000xi32, #tpu.memory_space<vmem>> -> memref<72xi32, #tpu.memory_space<vmem>>
    %dma_start3A_51 = arith.constant 0 : i32
    %dma_start3A_52 = arith.constant 0 : i32
    %dma_start3A_53 = tpu.memref_slice %arg4[%dma_start3A_51, %dma_start3A_52] : memref<10000x64xf32, #tpu.memory_space<hbm>> -> memref<10000x64xf32, #tpu.memory_space<hbm>>
    tpu.enqueue_indirect_dma source(%dma_start3A_53 : memref<10000x64xf32, #tpu.memory_space<hbm>>) target(%dma_start3A_48 : memref<72x64xf32, #tpu.memory_space<vmem>>) offsets(%dma_start3A_50 : memref<72xi32, #tpu.memory_space<vmem>>) semaphore(%arg23 : memref<!tpu.dma_semaphore, #tpu.memory_space<semaphore_mem>>)
    %dma_start3A_54 = arith.constant 0 : i32
    %dma_start3A_55 = arith.constant 0 : i32
    %dma_start3A_56 = tpu.memref_slice %arg17[%dma_start3A_54, %dma_start3A_55] : memref<200x64xf32, #tpu.memory_space<vmem>> -> memref<128x64xf32, #tpu.memory_space<vmem>>
    %dma_start3A_57 = arith.constant 0 : i32
    %dma_start3A_58 = tpu.memref_slice %arg10[%dma_start3A_57] : memref<5000xi32, #tpu.memory_space<vmem>> -> memref<128xi32, #tpu.memory_space<vmem>>
    %dma_start3A_59 = arith.constant 0 : i32
    %dma_start3A_60 = arith.constant 0 : i32
    %dma_start3A_61 = tpu.memref_slice %arg5[%dma_start3A_59, %dma_start3A_60] : memref<10000x64xf32, #tpu.memory_space<hbm>> -> memref<10000x64xf32, #tpu.memory_space<hbm>>
    tpu.enqueue_indirect_dma source(%dma_start3A_61 : memref<10000x64xf32, #tpu.memory_space<hbm>>) target(%dma_start3A_56 : memref<128x64xf32, #tpu.memory_space<vmem>>) offsets(%dma_start3A_58 : memref<128xi32, #tpu.memory_space<vmem>>) semaphore(%arg25 : memref<!tpu.dma_semaphore, #tpu.memory_space<semaphore_mem>>)
    %dma_start3A_62 = arith.constant 128 : i32
    %dma_start3A_63 = arith.constant 0 : i32
    %dma_start3A_64 = tpu.memref_slice %arg17[%dma_start3A_62, %dma_start3A_63] : memref<200x64xf32, #tpu.memory_space<vmem>> -> memref<72x64xf32, #tpu.memory_space<vmem>>
    %dma_start3A_65 = arith.constant 128 : i32
    %dma_start3A_66 = tpu.memref_slice %arg10[%dma_start3A_65] : memref<5000xi32, #tpu.memory_space<vmem>> -> memref<72xi32, #tpu.memory_space<vmem>>
    %dma_start3A_67 = arith.constant 0 : i32
    %dma_start3A_68 = arith.constant 0 : i32
    %dma_start3A_69 = tpu.memref_slice %arg5[%dma_start3A_67, %dma_start3A_68] : memref<10000x64xf32, #tpu.memory_space<hbm>> -> memref<10000x64xf32, #tpu.memory_space<hbm>>
    tpu.enqueue_indirect_dma source(%dma_start3A_69 : memref<10000x64xf32, #tpu.memory_space<hbm>>) target(%dma_start3A_64 : memref<72x64xf32, #tpu.memory_space<vmem>>) offsets(%dma_start3A_66 : memref<72xi32, #tpu.memory_space<vmem>>) semaphore(%arg25 : memref<!tpu.dma_semaphore, #tpu.memory_space<semaphore_mem>>)
    %dma_start3A_70 = arith.constant 0 : i32
    %dma_start3A_71 = arith.constant 0 : i32
    %dma_start3A_72 = tpu.memref_slice %arg12[%dma_start3A_70, %dma_start3A_71] : memref<200x64xf32, #tpu.memory_space<vmem>> -> memref<128x64xf32, #tpu.memory_space<vmem>>
    %dma_start3A_73 = arith.constant 200 : i32
    %dma_start3A_74 = tpu.memref_slice %arg7[%dma_start3A_73] : memref<5000xi32, #tpu.memory_space<vmem>> -> memref<128xi32, #tpu.memory_space<vmem>>
    %dma_start3A_75 = arith.constant 0 : i32
    %dma_start3A_76 = arith.constant 0 : i32
    %dma_start3A_77 = tpu.memref_slice %arg4[%dma_start3A_75, %dma_start3A_76] : memref<10000x64xf32, #tpu.memory_space<hbm>> -> memref<10000x64xf32, #tpu.memory_space<hbm>>
    tpu.enqueue_indirect_dma source(%dma_start3A_77 : memref<10000x64xf32, #tpu.memory_space<hbm>>) target(%dma_start3A_72 : memref<128x64xf32, #tpu.memory_space<vmem>>) offsets(%dma_start3A_74 : memref<128xi32, #tpu.memory_space<vmem>>) semaphore(%arg20 : memref<!tpu.dma_semaphore, #tpu.memory_space<semaphore_mem>>)
    %dma_start3A_78 = arith.constant 128 : i32
    %dma_start3A_79 = arith.constant 0 : i32
    %dma_start3A_80 = tpu.memref_slice %arg12[%dma_start3A_78, %dma_start3A_79] : memref<200x64xf32, #tpu.memory_space<vmem>> -> memref<72x64xf32, #tpu.memory_space<vmem>>
    %dma_start3A_81 = arith.constant 328 : i32
    %dma_start3A_82 = tpu.memref_slice %arg7[%dma_start3A_81] : memref<5000xi32, #tpu.memory_space<vmem>> -> memref<72xi32, #tpu.memory_space<vmem>>
    %dma_start3A_83 = arith.constant 0 : i32
    %dma_start3A_84 = arith.constant 0 : i32
    %dma_start3A_85 = tpu.memref_slice %arg4[%dma_start3A_83, %dma_start3A_84] : memref<10000x64xf32, #tpu.memory_space<hbm>> -> memref<10000x64xf32, #tpu.memory_space<hbm>>
    tpu.enqueue_indirect_dma source(%dma_start3A_85 : memref<10000x64xf32, #tpu.memory_space<hbm>>) target(%dma_start3A_80 : memref<72x64xf32, #tpu.memory_space<vmem>>) offsets(%dma_start3A_82 : memref<72xi32, #tpu.memory_space<vmem>>) semaphore(%arg20 : memref<!tpu.dma_semaphore, #tpu.memory_space<semaphore_mem>>)
    %dma_start3A_86 = arith.constant 0 : i32
    %dma_start3A_87 = arith.constant 0 : i32
    %dma_start3A_88 = tpu.memref_slice %arg14[%dma_start3A_86, %dma_start3A_87] : memref<200x64xf32, #tpu.memory_space<vmem>> -> memref<128x64xf32, #tpu.memory_space<vmem>>
    %dma_start3A_89 = arith.constant 200 : i32
    %dma_start3A_90 = tpu.memref_slice %arg8[%dma_start3A_89] : memref<5000xi32, #tpu.memory_space<vmem>> -> memref<128xi32, #tpu.memory_space<vmem>>
    %dma_start3A_91 = arith.constant 0 : i32
    %dma_start3A_92 = arith.constant 0 : i32
    %dma_start3A_93 = tpu.memref_slice %arg5[%dma_start3A_91, %dma_start3A_92] : memref<10000x64xf32, #tpu.memory_space<hbm>> -> memref<10000x64xf32, #tpu.memory_space<hbm>>
    tpu.enqueue_indirect_dma source(%dma_start3A_93 : memref<10000x64xf32, #tpu.memory_space<hbm>>) target(%dma_start3A_88 : memref<128x64xf32, #tpu.memory_space<vmem>>) offsets(%dma_start3A_90 : memref<128xi32, #tpu.memory_space<vmem>>) semaphore(%arg22 : memref<!tpu.dma_semaphore, #tpu.memory_space<semaphore_mem>>)
    %dma_start3A_94 = arith.constant 128 : i32
    %dma_start3A_95 = arith.constant 0 : i32
    %dma_start3A_96 = tpu.memref_slice %arg14[%dma_start3A_94, %dma_start3A_95] : memref<200x64xf32, #tpu.memory_space<vmem>> -> memref<72x64xf32, #tpu.memory_space<vmem>>
    %dma_start3A_97 = arith.constant 328 : i32
    %dma_start3A_98 = tpu.memref_slice %arg8[%dma_start3A_97] : memref<5000xi32, #tpu.memory_space<vmem>> -> memref<72xi32, #tpu.memory_space<vmem>>
    %dma_start3A_99 = arith.constant 0 : i32
    %dma_start3A_100 = arith.constant 0 : i32
    %dma_start3A_101 = tpu.memref_slice %arg5[%dma_start3A_99, %dma_start3A_100] : memref<10000x64xf32, #tpu.memory_space<hbm>> -> memref<10000x64xf32, #tpu.memory_space<hbm>>
    tpu.enqueue_indirect_dma source(%dma_start3A_101 : memref<10000x64xf32, #tpu.memory_space<hbm>>) target(%dma_start3A_96 : memref<72x64xf32, #tpu.memory_space<vmem>>) offsets(%dma_start3A_98 : memref<72xi32, #tpu.memory_space<vmem>>) semaphore(%arg22 : memref<!tpu.dma_semaphore, #tpu.memory_space<semaphore_mem>>)
    %dma_start3A_102 = arith.constant 0 : i32
    %dma_start3A_103 = arith.constant 0 : i32
    %dma_start3A_104 = tpu.memref_slice %arg16[%dma_start3A_102, %dma_start3A_103] : memref<200x64xf32, #tpu.memory_space<vmem>> -> memref<128x64xf32, #tpu.memory_space<vmem>>
    %dma_start3A_105 = arith.constant 200 : i32
    %dma_start3A_106 = tpu.memref_slice %arg9[%dma_start3A_105] : memref<5000xi32, #tpu.memory_space<vmem>> -> memref<128xi32, #tpu.memory_space<vmem>>
    %dma_start3A_107 = arith.constant 0 : i32
    %dma_start3A_108 = arith.constant 0 : i32
    %dma_start3A_109 = tpu.memref_slice %arg4[%dma_start3A_107, %dma_start3A_108] : memref<10000x64xf32, #tpu.memory_space<hbm>> -> memref<10000x64xf32, #tpu.memory_space<hbm>>
    tpu.enqueue_indirect_dma source(%dma_start3A_109 : memref<10000x64xf32, #tpu.memory_space<hbm>>) target(%dma_start3A_104 : memref<128x64xf32, #tpu.memory_space<vmem>>) offsets(%dma_start3A_106 : memref<128xi32, #tpu.memory_space<vmem>>) semaphore(%arg24 : memref<!tpu.dma_semaphore, #tpu.memory_space<semaphore_mem>>)
    %dma_start3A_110 = arith.constant 128 : i32
    %dma_start3A_111 = arith.constant 0 : i32
    %dma_start3A_112 = tpu.memref_slice %arg16[%dma_start3A_110, %dma_start3A_111] : memref<200x64xf32, #tpu.memory_space<vmem>> -> memref<72x64xf32, #tpu.memory_space<vmem>>
    %dma_start3A_113 = arith.constant 328 : i32
    %dma_start3A_114 = tpu.memref_slice %arg9[%dma_start3A_113] : memref<5000xi32, #tpu.memory_space<vmem>> -> memref<72xi32, #tpu.memory_space<vmem>>
    %dma_start3A_115 = arith.constant 0 : i32
    %dma_start3A_116 = arith.constant 0 : i32
    %dma_start3A_117 = tpu.memref_slice %arg4[%dma_start3A_115, %dma_start3A_116] : memref<10000x64xf32, #tpu.memory_space<hbm>> -> memref<10000x64xf32, #tpu.memory_space<hbm>>
    tpu.enqueue_indirect_dma source(%dma_start3A_117 : memref<10000x64xf32, #tpu.memory_space<hbm>>) target(%dma_start3A_112 : memref<72x64xf32, #tpu.memory_space<vmem>>) offsets(%dma_start3A_114 : memref<72xi32, #tpu.memory_space<vmem>>) semaphore(%arg24 : memref<!tpu.dma_semaphore, #tpu.memory_space<semaphore_mem>>)
    %dma_start3A_118 = arith.constant 0 : i32
    %dma_start3A_119 = arith.constant 0 : i32
    %dma_start3A_120 = tpu.memref_slice %arg18[%dma_start3A_118, %dma_start3A_119] : memref<200x64xf32, #tpu.memory_space<vmem>> -> memref<128x64xf32, #tpu.memory_space<vmem>>
    %dma_start3A_121 = arith.constant 200 : i32
    %dma_start3A_122 = tpu.memref_slice %arg10[%dma_start3A_121] : memref<5000xi32, #tpu.memory_space<vmem>> -> memref<128xi32, #tpu.memory_space<vmem>>
    %dma_start3A_123 = arith.constant 0 : i32
    %dma_start3A_124 = arith.constant 0 : i32
    %dma_start3A_125 = tpu.memref_slice %arg5[%dma_start3A_123, %dma_start3A_124] : memref<10000x64xf32, #tpu.memory_space<hbm>> -> memref<10000x64xf32, #tpu.memory_space<hbm>>
    tpu.enqueue_indirect_dma source(%dma_start3A_125 : memref<10000x64xf32, #tpu.memory_space<hbm>>) target(%dma_start3A_120 : memref<128x64xf32, #tpu.memory_space<vmem>>) offsets(%dma_start3A_122 : memref<128xi32, #tpu.memory_space<vmem>>) semaphore(%arg26 : memref<!tpu.dma_semaphore, #tpu.memory_space<semaphore_mem>>)
    %dma_start3A_126 = arith.constant 128 : i32
    %dma_start3A_127 = arith.constant 0 : i32
    %dma_start3A_128 = tpu.memref_slice %arg18[%dma_start3A_126, %dma_start3A_127] : memref<200x64xf32, #tpu.memory_space<vmem>> -> memref<72x64xf32, #tpu.memory_space<vmem>>
    %dma_start3A_129 = arith.constant 328 : i32
    %dma_start3A_130 = tpu.memref_slice %arg10[%dma_start3A_129] : memref<5000xi32, #tpu.memory_space<vmem>> -> memref<72xi32, #tpu.memory_space<vmem>>
    %dma_start3A_131 = arith.constant 0 : i32
    %dma_start3A_132 = arith.constant 0 : i32
    %dma_start3A_133 = tpu.memref_slice %arg5[%dma_start3A_131, %dma_start3A_132] : memref<10000x64xf32, #tpu.memory_space<hbm>> -> memref<10000x64xf32, #tpu.memory_space<hbm>>
    tpu.enqueue_indirect_dma source(%dma_start3A_133 : memref<10000x64xf32, #tpu.memory_space<hbm>>) target(%dma_start3A_128 : memref<72x64xf32, #tpu.memory_space<vmem>>) offsets(%dma_start3A_130 : memref<72xi32, #tpu.memory_space<vmem>>) semaphore(%arg26 : memref<!tpu.dma_semaphore, #tpu.memory_space<semaphore_mem>>)
    %scan3A = arith.constant 0 : i32
    %scan3A_134 = arith.constant 0 : i32
    %scan3A_135 = arith.constant 12 : i32
    %scan3A_136 = arith.addi %scan3A_134, %scan3A_135 : i32
    %scan3A_137 = arith.constant 1 : i32
    scf.for %scan3A_202 = %scan3A_134 to %scan3A_136 step %scan3A_137  : i32 {
      %mul3A_203 = arith.constant 2 : i32
      %mul3A_204 = arith.muli %mul3A_203, %scan3A_202 : i32
      %mul3A_205 = arith.constant 2 : i32
      %mul3A_206 = arith.muli %mul3A_205, %scan3A_202 : i32
      %add3A_207 = arith.constant 2 : i32
      %add3A_208 = arith.addi %mul3A_206, %add3A_207 : i32
      %le3A = arith.constant 24 : i32
      %le3A_209 = arith.cmpi sle, %add3A_208, %le3A : i32
      %dma_wait3A_210 = arith.constant 0 : i32
      %dma_wait3A_211 = arith.constant 0 : i32
      %dma_wait3A_212 = tpu.memref_slice %arg4[%dma_wait3A_210, %dma_wait3A_211] : memref<10000x64xf32, #tpu.memory_space<hbm>> -> memref<200x64xf32, #tpu.memory_space<hbm>>
      %dma_wait3A_213 = arith.constant 0 : i32
      %dma_wait3A_214 = arith.constant 0 : i32
      %dma_wait3A_215 = tpu.memref_slice %arg4[%dma_wait3A_213, %dma_wait3A_214] : memref<10000x64xf32, #tpu.memory_space<hbm>> -> memref<200x64xf32, #tpu.memory_space<hbm>>
      tpu.wait_dma2 semaphore(%arg19 : memref<!tpu.dma_semaphore, #tpu.memory_space<semaphore_mem>>) src(%dma_wait3A_215 : memref<200x64xf32, #tpu.memory_space<hbm>>) dst(%arg11 : memref<200x64xf32, #tpu.memory_space<vmem>>)
      %dma_wait3A_216 = arith.constant 0 : i32
      %dma_wait3A_217 = arith.constant 0 : i32
      %dma_wait3A_218 = tpu.memref_slice %arg4[%dma_wait3A_216, %dma_wait3A_217] : memref<10000x64xf32, #tpu.memory_space<hbm>> -> memref<200x64xf32, #tpu.memory_space<hbm>>
      %dma_wait3A_219 = arith.constant 0 : i32
      %dma_wait3A_220 = arith.constant 0 : i32
      %dma_wait3A_221 = tpu.memref_slice %arg4[%dma_wait3A_219, %dma_wait3A_220] : memref<10000x64xf32, #tpu.memory_space<hbm>> -> memref<200x64xf32, #tpu.memory_space<hbm>>
      tpu.wait_dma2 semaphore(%arg21 : memref<!tpu.dma_semaphore, #tpu.memory_space<semaphore_mem>>) src(%dma_wait3A_221 : memref<200x64xf32, #tpu.memory_space<hbm>>) dst(%arg13 : memref<200x64xf32, #tpu.memory_space<vmem>>)
      %dma_wait3A_222 = arith.constant 0 : i32
      %dma_wait3A_223 = arith.constant 0 : i32
      %dma_wait3A_224 = tpu.memref_slice %arg4[%dma_wait3A_222, %dma_wait3A_223] : memref<10000x64xf32, #tpu.memory_space<hbm>> -> memref<200x64xf32, #tpu.memory_space<hbm>>
      %dma_wait3A_225 = arith.constant 0 : i32
      %dma_wait3A_226 = arith.constant 0 : i32
      %dma_wait3A_227 = tpu.memref_slice %arg4[%dma_wait3A_225, %dma_wait3A_226] : memref<10000x64xf32, #tpu.memory_space<hbm>> -> memref<200x64xf32, #tpu.memory_space<hbm>>
      tpu.wait_dma2 semaphore(%arg23 : memref<!tpu.dma_semaphore, #tpu.memory_space<semaphore_mem>>) src(%dma_wait3A_227 : memref<200x64xf32, #tpu.memory_space<hbm>>) dst(%arg15 : memref<200x64xf32, #tpu.memory_space<vmem>>)
      %dma_wait3A_228 = arith.constant 0 : i32
      %dma_wait3A_229 = arith.constant 0 : i32
      %dma_wait3A_230 = tpu.memref_slice %arg4[%dma_wait3A_228, %dma_wait3A_229] : memref<10000x64xf32, #tpu.memory_space<hbm>> -> memref<200x64xf32, #tpu.memory_space<hbm>>
      %dma_wait3A_231 = arith.constant 0 : i32
      %dma_wait3A_232 = arith.constant 0 : i32
      %dma_wait3A_233 = tpu.memref_slice %arg4[%dma_wait3A_231, %dma_wait3A_232] : memref<10000x64xf32, #tpu.memory_space<hbm>> -> memref<200x64xf32, #tpu.memory_space<hbm>>
      tpu.wait_dma2 semaphore(%arg25 : memref<!tpu.dma_semaphore, #tpu.memory_space<semaphore_mem>>) src(%dma_wait3A_233 : memref<200x64xf32, #tpu.memory_space<hbm>>) dst(%arg17 : memref<200x64xf32, #tpu.memory_space<vmem>>)
      %scan3A_234 = arith.constant 0 : i32
      %scan3A_235 = arith.constant 0 : i32
      %scan3A_236 = arith.constant 200 : i32
      %scan3A_237 = arith.addi %scan3A_235, %scan3A_236 : i32
      %scan3A_238 = arith.constant 1 : i32
      scf.for %scan3A_306 = %scan3A_235 to %scan3A_237 step %scan3A_238  : i32 {
        %get3A = arith.index_cast %scan3A_306 : i32 to index
        %get3A_307 = arith.constant 0 : index
        %get3A_308 = tpu.vector_load %arg11[%get3A, %get3A_307] {strides = array<i32>} : memref<200x64xf32, #tpu.memory_space<vmem>>, vector<16xf32>,
        %bitcast3A = vector.bitcast %get3A_308 : vector<16xf32> to vector<32xbf16>
        %get3A_309 = arith.index_cast %scan3A_306 : i32 to index
        %get3A_310 = arith.constant 0 : index
        %get3A_311 = tpu.vector_load %arg13[%get3A_309, %get3A_310] {strides = array<i32>} : memref<200x64xf32, #tpu.memory_space<vmem>>, vector<16xf32>,
        %bitcast3A_312 = vector.bitcast %get3A_311 : vector<16xf32> to vector<32xbf16>
        %add3A_313 = arith.addf %bitcast3A, %bitcast3A_312 : vector<32xbf16>
        %bitcast3A_314 = vector.bitcast %add3A_313 : vector<32xbf16> to vector<16xf32>
        %swap3A = arith.index_cast %scan3A_306 : i32 to index
        %swap3A_315 = arith.constant 0 : index
        %swap3A_316 = tpu.vector_load %arg11[%swap3A, %swap3A_315] {strides = array<i32>} : memref<200x64xf32, #tpu.memory_space<vmem>>, vector<16xf32>,
        tpu.vector_store %arg11[%swap3A, %swap3A_315], %bitcast3A_314 {strides = array<i32>} : memref<200x64xf32, #tpu.memory_space<vmem>>, vector<16xf32>,
        %get3A_317 = arith.index_cast %scan3A_306 : i32 to index
        %get3A_318 = arith.constant 0 : index
        %get3A_319 = tpu.vector_load %arg15[%get3A_317, %get3A_318] {strides = array<i32>} : memref<200x64xf32, #tpu.memory_space<vmem>>, vector<16xf32>,
        %bitcast3A_320 = vector.bitcast %get3A_319 : vector<16xf32> to vector<32xbf16>
        %get3A_321 = arith.index_cast %scan3A_306 : i32 to index
        %get3A_322 = arith.constant 0 : index
        %get3A_323 = tpu.vector_load %arg17[%get3A_321, %get3A_322] {strides = array<i32>} : memref<200x64xf32, #tpu.memory_space<vmem>>, vector<16xf32>,
        %bitcast3A_324 = vector.bitcast %get3A_323 : vector<16xf32> to vector<32xbf16>
        %add3A_325 = arith.addf %bitcast3A_320, %bitcast3A_324 : vector<32xbf16>
        %bitcast3A_326 = vector.bitcast %add3A_325 : vector<32xbf16> to vector<16xf32>
        %swap3A_327 = arith.index_cast %scan3A_306 : i32 to index
        %swap3A_328 = arith.constant 0 : index
        %swap3A_329 = tpu.vector_load %arg15[%swap3A_327, %swap3A_328] {strides = array<i32>} : memref<200x64xf32, #tpu.memory_space<vmem>>, vector<16xf32>,
        tpu.vector_store %arg15[%swap3A_327, %swap3A_328], %bitcast3A_326 {strides = array<i32>} : memref<200x64xf32, #tpu.memory_space<vmem>>, vector<16xf32>,
        %get3A_330 = arith.index_cast %scan3A_306 : i32 to index
        %get3A_331 = arith.constant 16 : index
        %get3A_332 = tpu.vector_load %arg11[%get3A_330, %get3A_331] {strides = array<i32>} : memref<200x64xf32, #tpu.memory_space<vmem>>, vector<16xf32>,
        %bitcast3A_333 = vector.bitcast %get3A_332 : vector<16xf32> to vector<32xbf16>
        %get3A_334 = arith.index_cast %scan3A_306 : i32 to index
        %get3A_335 = arith.constant 16 : index
        %get3A_336 = tpu.vector_load %arg13[%get3A_334, %get3A_335] {strides = array<i32>} : memref<200x64xf32, #tpu.memory_space<vmem>>, vector<16xf32>,
        %bitcast3A_337 = vector.bitcast %get3A_336 : vector<16xf32> to vector<32xbf16>
        %add3A_338 = arith.addf %bitcast3A_333, %bitcast3A_337 : vector<32xbf16>
        %bitcast3A_339 = vector.bitcast %add3A_338 : vector<32xbf16> to vector<16xf32>
        %swap3A_340 = arith.index_cast %scan3A_306 : i32 to index
        %swap3A_341 = arith.constant 16 : index
        %swap3A_342 = tpu.vector_load %arg11[%swap3A_340, %swap3A_341] {strides = array<i32>} : memref<200x64xf32, #tpu.memory_space<vmem>>, vector<16xf32>,
        tpu.vector_store %arg11[%swap3A_340, %swap3A_341], %bitcast3A_339 {strides = array<i32>} : memref<200x64xf32, #tpu.memory_space<vmem>>, vector<16xf32>,
        %get3A_343 = arith.index_cast %scan3A_306 : i32 to index
        %get3A_344 = arith.constant 16 : index
        %get3A_345 = tpu.vector_load %arg15[%get3A_343, %get3A_344] {strides = array<i32>} : memref<200x64xf32, #tpu.memory_space<vmem>>, vector<16xf32>,
        %bitcast3A_346 = vector.bitcast %get3A_345 : vector<16xf32> to vector<32xbf16>
        %get3A_347 = arith.index_cast %scan3A_306 : i32 to index
        %get3A_348 = arith.constant 16 : index
        %get3A_349 = tpu.vector_load %arg17[%get3A_347, %get3A_348] {strides = array<i32>} : memref<200x64xf32, #tpu.memory_space<vmem>>, vector<16xf32>,
        %bitcast3A_350 = vector.bitcast %get3A_349 : vector<16xf32> to vector<32xbf16>
        %add3A_351 = arith.addf %bitcast3A_346, %bitcast3A_350 : vector<32xbf16>
        %bitcast3A_352 = vector.bitcast %add3A_351 : vector<32xbf16> to vector<16xf32>
        %swap3A_353 = arith.index_cast %scan3A_306 : i32 to index
        %swap3A_354 = arith.constant 16 : index
        %swap3A_355 = tpu.vector_load %arg15[%swap3A_353, %swap3A_354] {strides = array<i32>} : memref<200x64xf32, #tpu.memory_space<vmem>>, vector<16xf32>,
        tpu.vector_store %arg15[%swap3A_353, %swap3A_354], %bitcast3A_352 {strides = array<i32>} : memref<200x64xf32, #tpu.memory_space<vmem>>, vector<16xf32>,
        %get3A_356 = arith.index_cast %scan3A_306 : i32 to index
        %get3A_357 = arith.constant 32 : index
        %get3A_358 = tpu.vector_load %arg11[%get3A_356, %get3A_357] {strides = array<i32>} : memref<200x64xf32, #tpu.memory_space<vmem>>, vector<16xf32>,
        %bitcast3A_359 = vector.bitcast %get3A_358 : vector<16xf32> to vector<32xbf16>
        %get3A_360 = arith.index_cast %scan3A_306 : i32 to index
        %get3A_361 = arith.constant 32 : index
        %get3A_362 = tpu.vector_load %arg13[%get3A_360, %get3A_361] {strides = array<i32>} : memref<200x64xf32, #tpu.memory_space<vmem>>, vector<16xf32>,
        %bitcast3A_363 = vector.bitcast %get3A_362 : vector<16xf32> to vector<32xbf16>
        %add3A_364 = arith.addf %bitcast3A_359, %bitcast3A_363 : vector<32xbf16>
        %bitcast3A_365 = vector.bitcast %add3A_364 : vector<32xbf16> to vector<16xf32>
        %swap3A_366 = arith.index_cast %scan3A_306 : i32 to index
        %swap3A_367 = arith.constant 32 : index
        %swap3A_368 = tpu.vector_load %arg11[%swap3A_366, %swap3A_367] {strides = array<i32>} : memref<200x64xf32, #tpu.memory_space<vmem>>, vector<16xf32>,
        tpu.vector_store %arg11[%swap3A_366, %swap3A_367], %bitcast3A_365 {strides = array<i32>} : memref<200x64xf32, #tpu.memory_space<vmem>>, vector<16xf32>,
        %get3A_369 = arith.index_cast %scan3A_306 : i32 to index
        %get3A_370 = arith.constant 32 : index
        %get3A_371 = tpu.vector_load %arg15[%get3A_369, %get3A_370] {strides = array<i32>} : memref<200x64xf32, #tpu.memory_space<vmem>>, vector<16xf32>,
        %bitcast3A_372 = vector.bitcast %get3A_371 : vector<16xf32> to vector<32xbf16>
        %get3A_373 = arith.index_cast %scan3A_306 : i32 to index
        %get3A_374 = arith.constant 32 : index
        %get3A_375 = tpu.vector_load %arg17[%get3A_373, %get3A_374] {strides = array<i32>} : memref<200x64xf32, #tpu.memory_space<vmem>>, vector<16xf32>,
        %bitcast3A_376 = vector.bitcast %get3A_375 : vector<16xf32> to vector<32xbf16>
        %add3A_377 = arith.addf %bitcast3A_372, %bitcast3A_376 : vector<32xbf16>
        %bitcast3A_378 = vector.bitcast %add3A_377 : vector<32xbf16> to vector<16xf32>
        %swap3A_379 = arith.index_cast %scan3A_306 : i32 to index
        %swap3A_380 = arith.constant 32 : index
        %swap3A_381 = tpu.vector_load %arg15[%swap3A_379, %swap3A_380] {strides = array<i32>} : memref<200x64xf32, #tpu.memory_space<vmem>>, vector<16xf32>,
        tpu.vector_store %arg15[%swap3A_379, %swap3A_380], %bitcast3A_378 {strides = array<i32>} : memref<200x64xf32, #tpu.memory_space<vmem>>, vector<16xf32>,
        %get3A_382 = arith.index_cast %scan3A_306 : i32 to index
        %get3A_383 = arith.constant 48 : index
        %get3A_384 = tpu.vector_load %arg11[%get3A_382, %get3A_383] {strides = array<i32>} : memref<200x64xf32, #tpu.memory_space<vmem>>, vector<16xf32>,
        %bitcast3A_385 = vector.bitcast %get3A_384 : vector<16xf32> to vector<32xbf16>
        %get3A_386 = arith.index_cast %scan3A_306 : i32 to index
        %get3A_387 = arith.constant 48 : index
        %get3A_388 = tpu.vector_load %arg13[%get3A_386, %get3A_387] {strides = array<i32>} : memref<200x64xf32, #tpu.memory_space<vmem>>, vector<16xf32>,
        %bitcast3A_389 = vector.bitcast %get3A_388 : vector<16xf32> to vector<32xbf16>
        %add3A_390 = arith.addf %bitcast3A_385, %bitcast3A_389 : vector<32xbf16>
        %bitcast3A_391 = vector.bitcast %add3A_390 : vector<32xbf16> to vector<16xf32>
        %swap3A_392 = arith.index_cast %scan3A_306 : i32 to index
        %swap3A_393 = arith.constant 48 : index
        %swap3A_394 = tpu.vector_load %arg11[%swap3A_392, %swap3A_393] {strides = array<i32>} : memref<200x64xf32, #tpu.memory_space<vmem>>, vector<16xf32>,
        tpu.vector_store %arg11[%swap3A_392, %swap3A_393], %bitcast3A_391 {strides = array<i32>} : memref<200x64xf32, #tpu.memory_space<vmem>>, vector<16xf32>,
        %get3A_395 = arith.index_cast %scan3A_306 : i32 to index
        %get3A_396 = arith.constant 48 : index
        %get3A_397 = tpu.vector_load %arg15[%get3A_395, %get3A_396] {strides = array<i32>} : memref<200x64xf32, #tpu.memory_space<vmem>>, vector<16xf32>,
        %bitcast3A_398 = vector.bitcast %get3A_397 : vector<16xf32> to vector<32xbf16>
        %get3A_399 = arith.index_cast %scan3A_306 : i32 to index
        %get3A_400 = arith.constant 48 : index
        %get3A_401 = tpu.vector_load %arg17[%get3A_399, %get3A_400] {strides = array<i32>} : memref<200x64xf32, #tpu.memory_space<vmem>>, vector<16xf32>,
        %bitcast3A_402 = vector.bitcast %get3A_401 : vector<16xf32> to vector<32xbf16>
        %add3A_403 = arith.addf %bitcast3A_398, %bitcast3A_402 : vector<32xbf16>
        %bitcast3A_404 = vector.bitcast %add3A_403 : vector<32xbf16> to vector<16xf32>
        %swap3A_405 = arith.index_cast %scan3A_306 : i32 to index
        %swap3A_406 = arith.constant 48 : index
        %swap3A_407 = tpu.vector_load %arg15[%swap3A_405, %swap3A_406] {strides = array<i32>} : memref<200x64xf32, #tpu.memory_space<vmem>>, vector<16xf32>,
        tpu.vector_store %arg15[%swap3A_405, %swap3A_406], %bitcast3A_404 {strides = array<i32>} : memref<200x64xf32, #tpu.memory_space<vmem>>, vector<16xf32>,
      }
      %scan3A_239 = arith.constant 200 : i32
      %mul3A_240 = arith.constant 200 : i32
      %mul3A_241 = arith.muli %mul3A_204, %mul3A_240 : i32
      %add3A_242 = arith.addi %mul3A_2, %mul3A_241 : i32
      %dma_start3A_243 = arith.constant 0 : i32
      %dma_start3A_244 = tpu.memref_slice %arg6[%add3A_242, %dma_start3A_243] : memref<160000x128xf32, #tpu.memory_space<hbm>> -> memref<200x64xf32, #tpu.memory_space<hbm>>
      %dma_start3A_245 = arith.constant 0 : i32
      %dma_start3A_246 = tpu.memref_slice %arg6[%add3A_242, %dma_start3A_245] : memref<160000x128xf32, #tpu.memory_space<hbm>> -> memref<200x64xf32, #tpu.memory_space<hbm>>
      tpu.enqueue_dma source(%arg11 : memref<200x64xf32, #tpu.memory_space<vmem>>) target(%dma_start3A_246 : memref<200x64xf32, #tpu.memory_space<hbm>>) target_semaphore(%arg27 : memref<!tpu.dma_semaphore, #tpu.memory_space<semaphore_mem>>)
      %dma_start3A_247 = arith.constant 64 : i32
      %dma_start3A_248 = tpu.memref_slice %arg6[%add3A_242, %dma_start3A_247] : memref<160000x128xf32, #tpu.memory_space<hbm>> -> memref<200x64xf32, #tpu.memory_space<hbm>>
      %dma_start3A_249 = arith.constant 64 : i32
      %dma_start3A_250 = tpu.memref_slice %arg6[%add3A_242, %dma_start3A_249] : memref<160000x128xf32, #tpu.memory_space<hbm>> -> memref<200x64xf32, #tpu.memory_space<hbm>>
      tpu.enqueue_dma source(%arg15 : memref<200x64xf32, #tpu.memory_space<vmem>>) target(%dma_start3A_250 : memref<200x64xf32, #tpu.memory_space<hbm>>) target_semaphore(%arg27 : memref<!tpu.dma_semaphore, #tpu.memory_space<semaphore_mem>>)
      %convert_element_type3A = arith.extui %le3A_209 : i1 to i32
      %cond3A = arith.constant 0 : i32
      %cond3A_251 = arith.cmpi ne, %convert_element_type3A, %cond3A : i32
      scf.if %cond3A_251 {
        %dma_wait3A_306 = arith.constant 0 : i32
        %dma_wait3A_307 = tpu.memref_slice %arg6[%add3A_242, %dma_wait3A_306] : memref<160000x128xf32, #tpu.memory_space<hbm>> -> memref<200x64xf32, #tpu.memory_space<hbm>>
        %dma_wait3A_308 = arith.constant 0 : i32
        %dma_wait3A_309 = tpu.memref_slice %arg6[%add3A_242, %dma_wait3A_308] : memref<160000x128xf32, #tpu.memory_space<hbm>> -> memref<200x64xf32, #tpu.memory_space<hbm>>
        tpu.wait_dma2 semaphore(%arg27 : memref<!tpu.dma_semaphore, #tpu.memory_space<semaphore_mem>>) src(%arg11 : memref<200x64xf32, #tpu.memory_space<vmem>>) dst(%dma_wait3A_309 : memref<200x64xf32, #tpu.memory_space<hbm>>)
        %dma_wait3A_310 = arith.constant 64 : i32
        %dma_wait3A_311 = tpu.memref_slice %arg6[%add3A_242, %dma_wait3A_310] : memref<160000x128xf32, #tpu.memory_space<hbm>> -> memref<200x64xf32, #tpu.memory_space<hbm>>
        %dma_wait3A_312 = arith.constant 64 : i32
        %dma_wait3A_313 = tpu.memref_slice %arg6[%add3A_242, %dma_wait3A_312] : memref<160000x128xf32, #tpu.memory_space<hbm>> -> memref<200x64xf32, #tpu.memory_space<hbm>>
        tpu.wait_dma2 semaphore(%arg27 : memref<!tpu.dma_semaphore, #tpu.memory_space<semaphore_mem>>) src(%arg15 : memref<200x64xf32, #tpu.memory_space<vmem>>) dst(%dma_wait3A_313 : memref<200x64xf32, #tpu.memory_space<hbm>>)
        %add3A_314 = arith.constant 2 : i32
        %add3A_315 = arith.addi %mul3A_204, %add3A_314 : i32
        %mul3A_316 = arith.constant 200 : i32
        %mul3A_317 = arith.muli %add3A_315, %mul3A_316 : i32
        %add3A_318 = arith.constant 0 : i32
        %add3A_319 = arith.addi %mul3A_317, %add3A_318 : i32
        %dma_start3A_320 = arith.constant 0 : i32
        %dma_start3A_321 = arith.constant 0 : i32
        %dma_start3A_322 = tpu.memref_slice %arg11[%dma_start3A_320, %dma_start3A_321] : memref<200x64xf32, #tpu.memory_space<vmem>> -> memref<128x64xf32, #tpu.memory_space<vmem>>
        %dma_start3A_323 = tpu.memref_slice %arg7[%add3A_319] : memref<5000xi32, #tpu.memory_space<vmem>> -> memref<128xi32, #tpu.memory_space<vmem>>
        %dma_start3A_324 = arith.constant 0 : i32
        %dma_start3A_325 = arith.constant 0 : i32
        %dma_start3A_326 = tpu.memref_slice %arg4[%dma_start3A_324, %dma_start3A_325] : memref<10000x64xf32, #tpu.memory_space<hbm>> -> memref<10000x64xf32, #tpu.memory_space<hbm>>
        tpu.enqueue_indirect_dma source(%dma_start3A_326 : memref<10000x64xf32, #tpu.memory_space<hbm>>) target(%dma_start3A_322 : memref<128x64xf32, #tpu.memory_space<vmem>>) offsets(%dma_start3A_323 : memref<128xi32, #tpu.memory_space<vmem>>) semaphore(%arg19 : memref<!tpu.dma_semaphore, #tpu.memory_space<semaphore_mem>>)
        %add3A_327 = arith.constant 128 : i32
        %add3A_328 = arith.addi %mul3A_317, %add3A_327 : i32
        %dma_start3A_329 = arith.constant 128 : i32
        %dma_start3A_330 = arith.constant 0 : i32
        %dma_start3A_331 = tpu.memref_slice %arg11[%dma_start3A_329, %dma_start3A_330] : memref<200x64xf32, #tpu.memory_space<vmem>> -> memref<72x64xf32, #tpu.memory_space<vmem>>
        %dma_start3A_332 = tpu.memref_slice %arg7[%add3A_328] : memref<5000xi32, #tpu.memory_space<vmem>> -> memref<72xi32, #tpu.memory_space<vmem>>
        %dma_start3A_333 = arith.constant 0 : i32
        %dma_start3A_334 = arith.constant 0 : i32
        %dma_start3A_335 = tpu.memref_slice %arg4[%dma_start3A_333, %dma_start3A_334] : memref<10000x64xf32, #tpu.memory_space<hbm>> -> memref<10000x64xf32, #tpu.memory_space<hbm>>
        tpu.enqueue_indirect_dma source(%dma_start3A_335 : memref<10000x64xf32, #tpu.memory_space<hbm>>) target(%dma_start3A_331 : memref<72x64xf32, #tpu.memory_space<vmem>>) offsets(%dma_start3A_332 : memref<72xi32, #tpu.memory_space<vmem>>) semaphore(%arg19 : memref<!tpu.dma_semaphore, #tpu.memory_space<semaphore_mem>>)
        %add3A_336 = arith.constant 0 : i32
        %add3A_337 = arith.addi %mul3A_317, %add3A_336 : i32
        %dma_start3A_338 = arith.constant 0 : i32
        %dma_start3A_339 = arith.constant 0 : i32
        %dma_start3A_340 = tpu.memref_slice %arg13[%dma_start3A_338, %dma_start3A_339] : memref<200x64xf32, #tpu.memory_space<vmem>> -> memref<128x64xf32, #tpu.memory_space<vmem>>
        %dma_start3A_341 = tpu.memref_slice %arg8[%add3A_337] : memref<5000xi32, #tpu.memory_space<vmem>> -> memref<128xi32, #tpu.memory_space<vmem>>
        %dma_start3A_342 = arith.constant 0 : i32
        %dma_start3A_343 = arith.constant 0 : i32
        %dma_start3A_344 = tpu.memref_slice %arg5[%dma_start3A_342, %dma_start3A_343] : memref<10000x64xf32, #tpu.memory_space<hbm>> -> memref<10000x64xf32, #tpu.memory_space<hbm>>
        tpu.enqueue_indirect_dma source(%dma_start3A_344 : memref<10000x64xf32, #tpu.memory_space<hbm>>) target(%dma_start3A_340 : memref<128x64xf32, #tpu.memory_space<vmem>>) offsets(%dma_start3A_341 : memref<128xi32, #tpu.memory_space<vmem>>) semaphore(%arg21 : memref<!tpu.dma_semaphore, #tpu.memory_space<semaphore_mem>>)
        %add3A_345 = arith.constant 128 : i32
        %add3A_346 = arith.addi %mul3A_317, %add3A_345 : i32
        %dma_start3A_347 = arith.constant 128 : i32
        %dma_start3A_348 = arith.constant 0 : i32
        %dma_start3A_349 = tpu.memref_slice %arg13[%dma_start3A_347, %dma_start3A_348] : memref<200x64xf32, #tpu.memory_space<vmem>> -> memref<72x64xf32, #tpu.memory_space<vmem>>
        %dma_start3A_350 = tpu.memref_slice %arg8[%add3A_346] : memref<5000xi32, #tpu.memory_space<vmem>> -> memref<72xi32, #tpu.memory_space<vmem>>
        %dma_start3A_351 = arith.constant 0 : i32
        %dma_start3A_352 = arith.constant 0 : i32
        %dma_start3A_353 = tpu.memref_slice %arg5[%dma_start3A_351, %dma_start3A_352] : memref<10000x64xf32, #tpu.memory_space<hbm>> -> memref<10000x64xf32, #tpu.memory_space<hbm>>
        tpu.enqueue_indirect_dma source(%dma_start3A_353 : memref<10000x64xf32, #tpu.memory_space<hbm>>) target(%dma_start3A_349 : memref<72x64xf32, #tpu.memory_space<vmem>>) offsets(%dma_start3A_350 : memref<72xi32, #tpu.memory_space<vmem>>) semaphore(%arg21 : memref<!tpu.dma_semaphore, #tpu.memory_space<semaphore_mem>>)
        %add3A_354 = arith.constant 0 : i32
        %add3A_355 = arith.addi %mul3A_317, %add3A_354 : i32
        %dma_start3A_356 = arith.constant 0 : i32
        %dma_start3A_357 = arith.constant 0 : i32
        %dma_start3A_358 = tpu.memref_slice %arg15[%dma_start3A_356, %dma_start3A_357] : memref<200x64xf32, #tpu.memory_space<vmem>> -> memref<128x64xf32, #tpu.memory_space<vmem>>
        %dma_start3A_359 = tpu.memref_slice %arg9[%add3A_355] : memref<5000xi32, #tpu.memory_space<vmem>> -> memref<128xi32, #tpu.memory_space<vmem>>
        %dma_start3A_360 = arith.constant 0 : i32
        %dma_start3A_361 = arith.constant 0 : i32
        %dma_start3A_362 = tpu.memref_slice %arg4[%dma_start3A_360, %dma_start3A_361] : memref<10000x64xf32, #tpu.memory_space<hbm>> -> memref<10000x64xf32, #tpu.memory_space<hbm>>
        tpu.enqueue_indirect_dma source(%dma_start3A_362 : memref<10000x64xf32, #tpu.memory_space<hbm>>) target(%dma_start3A_358 : memref<128x64xf32, #tpu.memory_space<vmem>>) offsets(%dma_start3A_359 : memref<128xi32, #tpu.memory_space<vmem>>) semaphore(%arg23 : memref<!tpu.dma_semaphore, #tpu.memory_space<semaphore_mem>>)
        %add3A_363 = arith.constant 128 : i32
        %add3A_364 = arith.addi %mul3A_317, %add3A_363 : i32
        %dma_start3A_365 = arith.constant 128 : i32
        %dma_start3A_366 = arith.constant 0 : i32
        %dma_start3A_367 = tpu.memref_slice %arg15[%dma_start3A_365, %dma_start3A_366] : memref<200x64xf32, #tpu.memory_space<vmem>> -> memref<72x64xf32, #tpu.memory_space<vmem>>
        %dma_start3A_368 = tpu.memref_slice %arg9[%add3A_364] : memref<5000xi32, #tpu.memory_space<vmem>> -> memref<72xi32, #tpu.memory_space<vmem>>
        %dma_start3A_369 = arith.constant 0 : i32
        %dma_start3A_370 = arith.constant 0 : i32
        %dma_start3A_371 = tpu.memref_slice %arg4[%dma_start3A_369, %dma_start3A_370] : memref<10000x64xf32, #tpu.memory_space<hbm>> -> memref<10000x64xf32, #tpu.memory_space<hbm>>
        tpu.enqueue_indirect_dma source(%dma_start3A_371 : memref<10000x64xf32, #tpu.memory_space<hbm>>) target(%dma_start3A_367 : memref<72x64xf32, #tpu.memory_space<vmem>>) offsets(%dma_start3A_368 : memref<72xi32, #tpu.memory_space<vmem>>) semaphore(%arg23 : memref<!tpu.dma_semaphore, #tpu.memory_space<semaphore_mem>>)
        %add3A_372 = arith.constant 0 : i32
        %add3A_373 = arith.addi %mul3A_317, %add3A_372 : i32
        %dma_start3A_374 = arith.constant 0 : i32
        %dma_start3A_375 = arith.constant 0 : i32
        %dma_start3A_376 = tpu.memref_slice %arg17[%dma_start3A_374, %dma_start3A_375] : memref<200x64xf32, #tpu.memory_space<vmem>> -> memref<128x64xf32, #tpu.memory_space<vmem>>
        %dma_start3A_377 = tpu.memref_slice %arg10[%add3A_373] : memref<5000xi32, #tpu.memory_space<vmem>> -> memref<128xi32, #tpu.memory_space<vmem>>
        %dma_start3A_378 = arith.constant 0 : i32
        %dma_start3A_379 = arith.constant 0 : i32
        %dma_start3A_380 = tpu.memref_slice %arg5[%dma_start3A_378, %dma_start3A_379] : memref<10000x64xf32, #tpu.memory_space<hbm>> -> memref<10000x64xf32, #tpu.memory_space<hbm>>
        tpu.enqueue_indirect_dma source(%dma_start3A_380 : memref<10000x64xf32, #tpu.memory_space<hbm>>) target(%dma_start3A_376 : memref<128x64xf32, #tpu.memory_space<vmem>>) offsets(%dma_start3A_377 : memref<128xi32, #tpu.memory_space<vmem>>) semaphore(%arg25 : memref<!tpu.dma_semaphore, #tpu.memory_space<semaphore_mem>>)
        %add3A_381 = arith.constant 128 : i32
        %add3A_382 = arith.addi %mul3A_317, %add3A_381 : i32
        %dma_start3A_383 = arith.constant 128 : i32
        %dma_start3A_384 = arith.constant 0 : i32
        %dma_start3A_385 = tpu.memref_slice %arg17[%dma_start3A_383, %dma_start3A_384] : memref<200x64xf32, #tpu.memory_space<vmem>> -> memref<72x64xf32, #tpu.memory_space<vmem>>
        %dma_start3A_386 = tpu.memref_slice %arg10[%add3A_382] : memref<5000xi32, #tpu.memory_space<vmem>> -> memref<72xi32, #tpu.memory_space<vmem>>
        %dma_start3A_387 = arith.constant 0 : i32
        %dma_start3A_388 = arith.constant 0 : i32
        %dma_start3A_389 = tpu.memref_slice %arg5[%dma_start3A_387, %dma_start3A_388] : memref<10000x64xf32, #tpu.memory_space<hbm>> -> memref<10000x64xf32, #tpu.memory_space<hbm>>
        tpu.enqueue_indirect_dma source(%dma_start3A_389 : memref<10000x64xf32, #tpu.memory_space<hbm>>) target(%dma_start3A_385 : memref<72x64xf32, #tpu.memory_space<vmem>>) offsets(%dma_start3A_386 : memref<72xi32, #tpu.memory_space<vmem>>) semaphore(%arg25 : memref<!tpu.dma_semaphore, #tpu.memory_space<semaphore_mem>>)
      } else {
      }
      %mul3A_252 = arith.constant 2 : i32
      %mul3A_253 = arith.muli %mul3A_252, %scan3A_202 : i32
      %add3A_254 = arith.constant 1 : i32
      %add3A_255 = arith.addi %mul3A_253, %add3A_254 : i32
      %mul3A_256 = arith.constant 2 : i32
      %mul3A_257 = arith.muli %mul3A_256, %scan3A_202 : i32
      %add3A_258 = arith.constant 3 : i32
      %add3A_259 = arith.addi %mul3A_257, %add3A_258 : i32
      %le3A_260 = arith.constant 24 : i32
      %le3A_261 = arith.cmpi sle, %add3A_259, %le3A_260 : i32
      %dma_wait3A_262 = arith.constant 0 : i32
      %dma_wait3A_263 = arith.constant 0 : i32
      %dma_wait3A_264 = tpu.memref_slice %arg4[%dma_wait3A_262, %dma_wait3A_263] : memref<10000x64xf32, #tpu.memory_space<hbm>> -> memref<200x64xf32, #tpu.memory_space<hbm>>
      %dma_wait3A_265 = arith.constant 0 : i32
      %dma_wait3A_266 = arith.constant 0 : i32
      %dma_wait3A_267 = tpu.memref_slice %arg4[%dma_wait3A_265, %dma_wait3A_266] : memref<10000x64xf32, #tpu.memory_space<hbm>> -> memref<200x64xf32, #tpu.memory_space<hbm>>
      tpu.wait_dma2 semaphore(%arg20 : memref<!tpu.dma_semaphore, #tpu.memory_space<semaphore_mem>>) src(%dma_wait3A_267 : memref<200x64xf32, #tpu.memory_space<hbm>>) dst(%arg12 : memref<200x64xf32, #tpu.memory_space<vmem>>)
      %dma_wait3A_268 = arith.constant 0 : i32
      %dma_wait3A_269 = arith.constant 0 : i32
      %dma_wait3A_270 = tpu.memref_slice %arg4[%dma_wait3A_268, %dma_wait3A_269] : memref<10000x64xf32, #tpu.memory_space<hbm>> -> memref<200x64xf32, #tpu.memory_space<hbm>>
      %dma_wait3A_271 = arith.constant 0 : i32
      %dma_wait3A_272 = arith.constant 0 : i32
      %dma_wait3A_273 = tpu.memref_slice %arg4[%dma_wait3A_271, %dma_wait3A_272] : memref<10000x64xf32, #tpu.memory_space<hbm>> -> memref<200x64xf32, #tpu.memory_space<hbm>>
      tpu.wait_dma2 semaphore(%arg22 : memref<!tpu.dma_semaphore, #tpu.memory_space<semaphore_mem>>) src(%dma_wait3A_273 : memref<200x64xf32, #tpu.memory_space<hbm>>) dst(%arg14 : memref<200x64xf32, #tpu.memory_space<vmem>>)
      %dma_wait3A_274 = arith.constant 0 : i32
      %dma_wait3A_275 = arith.constant 0 : i32
      %dma_wait3A_276 = tpu.memref_slice %arg4[%dma_wait3A_274, %dma_wait3A_275] : memref<10000x64xf32, #tpu.memory_space<hbm>> -> memref<200x64xf32, #tpu.memory_space<hbm>>
      %dma_wait3A_277 = arith.constant 0 : i32
      %dma_wait3A_278 = arith.constant 0 : i32
      %dma_wait3A_279 = tpu.memref_slice %arg4[%dma_wait3A_277, %dma_wait3A_278] : memref<10000x64xf32, #tpu.memory_space<hbm>> -> memref<200x64xf32, #tpu.memory_space<hbm>>
      tpu.wait_dma2 semaphore(%arg24 : memref<!tpu.dma_semaphore, #tpu.memory_space<semaphore_mem>>) src(%dma_wait3A_279 : memref<200x64xf32, #tpu.memory_space<hbm>>) dst(%arg16 : memref<200x64xf32, #tpu.memory_space<vmem>>)
      %dma_wait3A_280 = arith.constant 0 : i32
      %dma_wait3A_281 = arith.constant 0 : i32
      %dma_wait3A_282 = tpu.memref_slice %arg4[%dma_wait3A_280, %dma_wait3A_281] : memref<10000x64xf32, #tpu.memory_space<hbm>> -> memref<200x64xf32, #tpu.memory_space<hbm>>
      %dma_wait3A_283 = arith.constant 0 : i32
      %dma_wait3A_284 = arith.constant 0 : i32
      %dma_wait3A_285 = tpu.memref_slice %arg4[%dma_wait3A_283, %dma_wait3A_284] : memref<10000x64xf32, #tpu.memory_space<hbm>> -> memref<200x64xf32, #tpu.memory_space<hbm>>
      tpu.wait_dma2 semaphore(%arg26 : memref<!tpu.dma_semaphore, #tpu.memory_space<semaphore_mem>>) src(%dma_wait3A_285 : memref<200x64xf32, #tpu.memory_space<hbm>>) dst(%arg18 : memref<200x64xf32, #tpu.memory_space<vmem>>)
      %scan3A_286 = arith.constant 0 : i32
      %scan3A_287 = arith.constant 0 : i32
      %scan3A_288 = arith.constant 200 : i32
      %scan3A_289 = arith.addi %scan3A_287, %scan3A_288 : i32
      %scan3A_290 = arith.constant 1 : i32
      scf.for %scan3A_306 = %scan3A_287 to %scan3A_289 step %scan3A_290  : i32 {
        %get3A = arith.index_cast %scan3A_306 : i32 to index
        %get3A_307 = arith.constant 0 : index
        %get3A_308 = tpu.vector_load %arg12[%get3A, %get3A_307] {strides = array<i32>} : memref<200x64xf32, #tpu.memory_space<vmem>>, vector<16xf32>,
        %bitcast3A = vector.bitcast %get3A_308 : vector<16xf32> to vector<32xbf16>
        %get3A_309 = arith.index_cast %scan3A_306 : i32 to index
        %get3A_310 = arith.constant 0 : index
        %get3A_311 = tpu.vector_load %arg14[%get3A_309, %get3A_310] {strides = array<i32>} : memref<200x64xf32, #tpu.memory_space<vmem>>, vector<16xf32>,
        %bitcast3A_312 = vector.bitcast %get3A_311 : vector<16xf32> to vector<32xbf16>
        %add3A_313 = arith.addf %bitcast3A, %bitcast3A_312 : vector<32xbf16>
        %bitcast3A_314 = vector.bitcast %add3A_313 : vector<32xbf16> to vector<16xf32>
        %swap3A = arith.index_cast %scan3A_306 : i32 to index
        %swap3A_315 = arith.constant 0 : index
        %swap3A_316 = tpu.vector_load %arg12[%swap3A, %swap3A_315] {strides = array<i32>} : memref<200x64xf32, #tpu.memory_space<vmem>>, vector<16xf32>,
        tpu.vector_store %arg12[%swap3A, %swap3A_315], %bitcast3A_314 {strides = array<i32>} : memref<200x64xf32, #tpu.memory_space<vmem>>, vector<16xf32>,
        %get3A_317 = arith.index_cast %scan3A_306 : i32 to index
        %get3A_318 = arith.constant 0 : index
        %get3A_319 = tpu.vector_load %arg16[%get3A_317, %get3A_318] {strides = array<i32>} : memref<200x64xf32, #tpu.memory_space<vmem>>, vector<16xf32>,
        %bitcast3A_320 = vector.bitcast %get3A_319 : vector<16xf32> to vector<32xbf16>
        %get3A_321 = arith.index_cast %scan3A_306 : i32 to index
        %get3A_322 = arith.constant 0 : index
        %get3A_323 = tpu.vector_load %arg18[%get3A_321, %get3A_322] {strides = array<i32>} : memref<200x64xf32, #tpu.memory_space<vmem>>, vector<16xf32>,
        %bitcast3A_324 = vector.bitcast %get3A_323 : vector<16xf32> to vector<32xbf16>
        %add3A_325 = arith.addf %bitcast3A_320, %bitcast3A_324 : vector<32xbf16>
        %bitcast3A_326 = vector.bitcast %add3A_325 : vector<32xbf16> to vector<16xf32>
        %swap3A_327 = arith.index_cast %scan3A_306 : i32 to index
        %swap3A_328 = arith.constant 0 : index
        %swap3A_329 = tpu.vector_load %arg16[%swap3A_327, %swap3A_328] {strides = array<i32>} : memref<200x64xf32, #tpu.memory_space<vmem>>, vector<16xf32>,
        tpu.vector_store %arg16[%swap3A_327, %swap3A_328], %bitcast3A_326 {strides = array<i32>} : memref<200x64xf32, #tpu.memory_space<vmem>>, vector<16xf32>,
        %get3A_330 = arith.index_cast %scan3A_306 : i32 to index
        %get3A_331 = arith.constant 16 : index
        %get3A_332 = tpu.vector_load %arg12[%get3A_330, %get3A_331] {strides = array<i32>} : memref<200x64xf32, #tpu.memory_space<vmem>>, vector<16xf32>,
        %bitcast3A_333 = vector.bitcast %get3A_332 : vector<16xf32> to vector<32xbf16>
        %get3A_334 = arith.index_cast %scan3A_306 : i32 to index
        %get3A_335 = arith.constant 16 : index
        %get3A_336 = tpu.vector_load %arg14[%get3A_334, %get3A_335] {strides = array<i32>} : memref<200x64xf32, #tpu.memory_space<vmem>>, vector<16xf32>,
        %bitcast3A_337 = vector.bitcast %get3A_336 : vector<16xf32> to vector<32xbf16>
        %add3A_338 = arith.addf %bitcast3A_333, %bitcast3A_337 : vector<32xbf16>
        %bitcast3A_339 = vector.bitcast %add3A_338 : vector<32xbf16> to vector<16xf32>
        %swap3A_340 = arith.index_cast %scan3A_306 : i32 to index
        %swap3A_341 = arith.constant 16 : index
        %swap3A_342 = tpu.vector_load %arg12[%swap3A_340, %swap3A_341] {strides = array<i32>} : memref<200x64xf32, #tpu.memory_space<vmem>>, vector<16xf32>,
        tpu.vector_store %arg12[%swap3A_340, %swap3A_341], %bitcast3A_339 {strides = array<i32>} : memref<200x64xf32, #tpu.memory_space<vmem>>, vector<16xf32>,
        %get3A_343 = arith.index_cast %scan3A_306 : i32 to index
        %get3A_344 = arith.constant 16 : index
        %get3A_345 = tpu.vector_load %arg16[%get3A_343, %get3A_344] {strides = array<i32>} : memref<200x64xf32, #tpu.memory_space<vmem>>, vector<16xf32>,
        %bitcast3A_346 = vector.bitcast %get3A_345 : vector<16xf32> to vector<32xbf16>
        %get3A_347 = arith.index_cast %scan3A_306 : i32 to index
        %get3A_348 = arith.constant 16 : index
        %get3A_349 = tpu.vector_load %arg18[%get3A_347, %get3A_348] {strides = array<i32>} : memref<200x64xf32, #tpu.memory_space<vmem>>, vector<16xf32>,
        %bitcast3A_350 = vector.bitcast %get3A_349 : vector<16xf32> to vector<32xbf16>
        %add3A_351 = arith.addf %bitcast3A_346, %bitcast3A_350 : vector<32xbf16>
        %bitcast3A_352 = vector.bitcast %add3A_351 : vector<32xbf16> to vector<16xf32>
        %swap3A_353 = arith.index_cast %scan3A_306 : i32 to index
        %swap3A_354 = arith.constant 16 : index
        %swap3A_355 = tpu.vector_load %arg16[%swap3A_353, %swap3A_354] {strides = array<i32>} : memref<200x64xf32, #tpu.memory_space<vmem>>, vector<16xf32>,
        tpu.vector_store %arg16[%swap3A_353, %swap3A_354], %bitcast3A_352 {strides = array<i32>} : memref<200x64xf32, #tpu.memory_space<vmem>>, vector<16xf32>,
        %get3A_356 = arith.index_cast %scan3A_306 : i32 to index
        %get3A_357 = arith.constant 32 : index
        %get3A_358 = tpu.vector_load %arg12[%get3A_356, %get3A_357] {strides = array<i32>} : memref<200x64xf32, #tpu.memory_space<vmem>>, vector<16xf32>,
        %bitcast3A_359 = vector.bitcast %get3A_358 : vector<16xf32> to vector<32xbf16>
        %get3A_360 = arith.index_cast %scan3A_306 : i32 to index
        %get3A_361 = arith.constant 32 : index
        %get3A_362 = tpu.vector_load %arg14[%get3A_360, %get3A_361] {strides = array<i32>} : memref<200x64xf32, #tpu.memory_space<vmem>>, vector<16xf32>,
        %bitcast3A_363 = vector.bitcast %get3A_362 : vector<16xf32> to vector<32xbf16>
        %add3A_364 = arith.addf %bitcast3A_359, %bitcast3A_363 : vector<32xbf16>
        %bitcast3A_365 = vector.bitcast %add3A_364 : vector<32xbf16> to vector<16xf32>
        %swap3A_366 = arith.index_cast %scan3A_306 : i32 to index
        %swap3A_367 = arith.constant 32 : index
        %swap3A_368 = tpu.vector_load %arg12[%swap3A_366, %swap3A_367] {strides = array<i32>} : memref<200x64xf32, #tpu.memory_space<vmem>>, vector<16xf32>,
        tpu.vector_store %arg12[%swap3A_366, %swap3A_367], %bitcast3A_365 {strides = array<i32>} : memref<200x64xf32, #tpu.memory_space<vmem>>, vector<16xf32>,
        %get3A_369 = arith.index_cast %scan3A_306 : i32 to index
        %get3A_370 = arith.constant 32 : index
        %get3A_371 = tpu.vector_load %arg16[%get3A_369, %get3A_370] {strides = array<i32>} : memref<200x64xf32, #tpu.memory_space<vmem>>, vector<16xf32>,
        %bitcast3A_372 = vector.bitcast %get3A_371 : vector<16xf32> to vector<32xbf16>
        %get3A_373 = arith.index_cast %scan3A_306 : i32 to index
        %get3A_374 = arith.constant 32 : index
        %get3A_375 = tpu.vector_load %arg18[%get3A_373, %get3A_374] {strides = array<i32>} : memref<200x64xf32, #tpu.memory_space<vmem>>, vector<16xf32>,
        %bitcast3A_376 = vector.bitcast %get3A_375 : vector<16xf32> to vector<32xbf16>
        %add3A_377 = arith.addf %bitcast3A_372, %bitcast3A_376 : vector<32xbf16>
        %bitcast3A_378 = vector.bitcast %add3A_377 : vector<32xbf16> to vector<16xf32>
        %swap3A_379 = arith.index_cast %scan3A_306 : i32 to index
        %swap3A_380 = arith.constant 32 : index
        %swap3A_381 = tpu.vector_load %arg16[%swap3A_379, %swap3A_380] {strides = array<i32>} : memref<200x64xf32, #tpu.memory_space<vmem>>, vector<16xf32>,
        tpu.vector_store %arg16[%swap3A_379, %swap3A_380], %bitcast3A_378 {strides = array<i32>} : memref<200x64xf32, #tpu.memory_space<vmem>>, vector<16xf32>,
        %get3A_382 = arith.index_cast %scan3A_306 : i32 to index
        %get3A_383 = arith.constant 48 : index
        %get3A_384 = tpu.vector_load %arg12[%get3A_382, %get3A_383] {strides = array<i32>} : memref<200x64xf32, #tpu.memory_space<vmem>>, vector<16xf32>,
        %bitcast3A_385 = vector.bitcast %get3A_384 : vector<16xf32> to vector<32xbf16>
        %get3A_386 = arith.index_cast %scan3A_306 : i32 to index
        %get3A_387 = arith.constant 48 : index
        %get3A_388 = tpu.vector_load %arg14[%get3A_386, %get3A_387] {strides = array<i32>} : memref<200x64xf32, #tpu.memory_space<vmem>>, vector<16xf32>,
        %bitcast3A_389 = vector.bitcast %get3A_388 : vector<16xf32> to vector<32xbf16>
        %add3A_390 = arith.addf %bitcast3A_385, %bitcast3A_389 : vector<32xbf16>
        %bitcast3A_391 = vector.bitcast %add3A_390 : vector<32xbf16> to vector<16xf32>
        %swap3A_392 = arith.index_cast %scan3A_306 : i32 to index
        %swap3A_393 = arith.constant 48 : index
        %swap3A_394 = tpu.vector_load %arg12[%swap3A_392, %swap3A_393] {strides = array<i32>} : memref<200x64xf32, #tpu.memory_space<vmem>>, vector<16xf32>,
        tpu.vector_store %arg12[%swap3A_392, %swap3A_393], %bitcast3A_391 {strides = array<i32>} : memref<200x64xf32, #tpu.memory_space<vmem>>, vector<16xf32>,
        %get3A_395 = arith.index_cast %scan3A_306 : i32 to index
        %get3A_396 = arith.constant 48 : index
        %get3A_397 = tpu.vector_load %arg16[%get3A_395, %get3A_396] {strides = array<i32>} : memref<200x64xf32, #tpu.memory_space<vmem>>, vector<16xf32>,
        %bitcast3A_398 = vector.bitcast %get3A_397 : vector<16xf32> to vector<32xbf16>
        %get3A_399 = arith.index_cast %scan3A_306 : i32 to index
        %get3A_400 = arith.constant 48 : index
        %get3A_401 = tpu.vector_load %arg18[%get3A_399, %get3A_400] {strides = array<i32>} : memref<200x64xf32, #tpu.memory_space<vmem>>, vector<16xf32>,
        %bitcast3A_402 = vector.bitcast %get3A_401 : vector<16xf32> to vector<32xbf16>
        %add3A_403 = arith.addf %bitcast3A_398, %bitcast3A_402 : vector<32xbf16>
        %bitcast3A_404 = vector.bitcast %add3A_403 : vector<32xbf16> to vector<16xf32>
        %swap3A_405 = arith.index_cast %scan3A_306 : i32 to index
        %swap3A_406 = arith.constant 48 : index
        %swap3A_407 = tpu.vector_load %arg16[%swap3A_405, %swap3A_406] {strides = array<i32>} : memref<200x64xf32, #tpu.memory_space<vmem>>, vector<16xf32>,
        tpu.vector_store %arg16[%swap3A_405, %swap3A_406], %bitcast3A_404 {strides = array<i32>} : memref<200x64xf32, #tpu.memory_space<vmem>>, vector<16xf32>,
      }
      %scan3A_291 = arith.constant 200 : i32
      %mul3A_292 = arith.constant 200 : i32
      %mul3A_293 = arith.muli %add3A_255, %mul3A_292 : i32
      %add3A_294 = arith.addi %mul3A_2, %mul3A_293 : i32
      %dma_start3A_295 = arith.constant 0 : i32
      %dma_start3A_296 = tpu.memref_slice %arg6[%add3A_294, %dma_start3A_295] : memref<160000x128xf32, #tpu.memory_space<hbm>> -> memref<200x64xf32, #tpu.memory_space<hbm>>
      %dma_start3A_297 = arith.constant 0 : i32
      %dma_start3A_298 = tpu.memref_slice %arg6[%add3A_294, %dma_start3A_297] : memref<160000x128xf32, #tpu.memory_space<hbm>> -> memref<200x64xf32, #tpu.memory_space<hbm>>
      tpu.enqueue_dma source(%arg12 : memref<200x64xf32, #tpu.memory_space<vmem>>) target(%dma_start3A_298 : memref<200x64xf32, #tpu.memory_space<hbm>>) target_semaphore(%arg28 : memref<!tpu.dma_semaphore, #tpu.memory_space<semaphore_mem>>)
      %dma_start3A_299 = arith.constant 64 : i32
      %dma_start3A_300 = tpu.memref_slice %arg6[%add3A_294, %dma_start3A_299] : memref<160000x128xf32, #tpu.memory_space<hbm>> -> memref<200x64xf32, #tpu.memory_space<hbm>>
      %dma_start3A_301 = arith.constant 64 : i32
      %dma_start3A_302 = tpu.memref_slice %arg6[%add3A_294, %dma_start3A_301] : memref<160000x128xf32, #tpu.memory_space<hbm>> -> memref<200x64xf32, #tpu.memory_space<hbm>>
      tpu.enqueue_dma source(%arg16 : memref<200x64xf32, #tpu.memory_space<vmem>>) target(%dma_start3A_302 : memref<200x64xf32, #tpu.memory_space<hbm>>) target_semaphore(%arg28 : memref<!tpu.dma_semaphore, #tpu.memory_space<semaphore_mem>>)
      %convert_element_type3A_303 = arith.extui %le3A_261 : i1 to i32
      %cond3A_304 = arith.constant 0 : i32
      %cond3A_305 = arith.cmpi ne, %convert_element_type3A_303, %cond3A_304 : i32
      scf.if %cond3A_305 {
        %dma_wait3A_306 = arith.constant 0 : i32
        %dma_wait3A_307 = tpu.memref_slice %arg6[%add3A_294, %dma_wait3A_306] : memref<160000x128xf32, #tpu.memory_space<hbm>> -> memref<200x64xf32, #tpu.memory_space<hbm>>
        %dma_wait3A_308 = arith.constant 0 : i32
        %dma_wait3A_309 = tpu.memref_slice %arg6[%add3A_294, %dma_wait3A_308] : memref<160000x128xf32, #tpu.memory_space<hbm>> -> memref<200x64xf32, #tpu.memory_space<hbm>>
        tpu.wait_dma2 semaphore(%arg28 : memref<!tpu.dma_semaphore, #tpu.memory_space<semaphore_mem>>) src(%arg12 : memref<200x64xf32, #tpu.memory_space<vmem>>) dst(%dma_wait3A_309 : memref<200x64xf32, #tpu.memory_space<hbm>>)
        %dma_wait3A_310 = arith.constant 64 : i32
        %dma_wait3A_311 = tpu.memref_slice %arg6[%add3A_294, %dma_wait3A_310] : memref<160000x128xf32, #tpu.memory_space<hbm>> -> memref<200x64xf32, #tpu.memory_space<hbm>>
        %dma_wait3A_312 = arith.constant 64 : i32
        %dma_wait3A_313 = tpu.memref_slice %arg6[%add3A_294, %dma_wait3A_312] : memref<160000x128xf32, #tpu.memory_space<hbm>> -> memref<200x64xf32, #tpu.memory_space<hbm>>
        tpu.wait_dma2 semaphore(%arg28 : memref<!tpu.dma_semaphore, #tpu.memory_space<semaphore_mem>>) src(%arg16 : memref<200x64xf32, #tpu.memory_space<vmem>>) dst(%dma_wait3A_313 : memref<200x64xf32, #tpu.memory_space<hbm>>)
        %add3A_314 = arith.constant 2 : i32
        %add3A_315 = arith.addi %add3A_255, %add3A_314 : i32
        %mul3A_316 = arith.constant 200 : i32
        %mul3A_317 = arith.muli %add3A_315, %mul3A_316 : i32
        %add3A_318 = arith.constant 0 : i32
        %add3A_319 = arith.addi %mul3A_317, %add3A_318 : i32
        %dma_start3A_320 = arith.constant 0 : i32
        %dma_start3A_321 = arith.constant 0 : i32
        %dma_start3A_322 = tpu.memref_slice %arg12[%dma_start3A_320, %dma_start3A_321] : memref<200x64xf32, #tpu.memory_space<vmem>> -> memref<128x64xf32, #tpu.memory_space<vmem>>
        %dma_start3A_323 = tpu.memref_slice %arg7[%add3A_319] : memref<5000xi32, #tpu.memory_space<vmem>> -> memref<128xi32, #tpu.memory_space<vmem>>
        %dma_start3A_324 = arith.constant 0 : i32
        %dma_start3A_325 = arith.constant 0 : i32
        %dma_start3A_326 = tpu.memref_slice %arg4[%dma_start3A_324, %dma_start3A_325] : memref<10000x64xf32, #tpu.memory_space<hbm>> -> memref<10000x64xf32, #tpu.memory_space<hbm>>
        tpu.enqueue_indirect_dma source(%dma_start3A_326 : memref<10000x64xf32, #tpu.memory_space<hbm>>) target(%dma_start3A_322 : memref<128x64xf32, #tpu.memory_space<vmem>>) offsets(%dma_start3A_323 : memref<128xi32, #tpu.memory_space<vmem>>) semaphore(%arg20 : memref<!tpu.dma_semaphore, #tpu.memory_space<semaphore_mem>>)
        %add3A_327 = arith.constant 128 : i32
        %add3A_328 = arith.addi %mul3A_317, %add3A_327 : i32
        %dma_start3A_329 = arith.constant 128 : i32
        %dma_start3A_330 = arith.constant 0 : i32
        %dma_start3A_331 = tpu.memref_slice %arg12[%dma_start3A_329, %dma_start3A_330] : memref<200x64xf32, #tpu.memory_space<vmem>> -> memref<72x64xf32, #tpu.memory_space<vmem>>
        %dma_start3A_332 = tpu.memref_slice %arg7[%add3A_328] : memref<5000xi32, #tpu.memory_space<vmem>> -> memref<72xi32, #tpu.memory_space<vmem>>
        %dma_start3A_333 = arith.constant 0 : i32
        %dma_start3A_334 = arith.constant 0 : i32
        %dma_start3A_335 = tpu.memref_slice %arg4[%dma_start3A_333, %dma_start3A_334] : memref<10000x64xf32, #tpu.memory_space<hbm>> -> memref<10000x64xf32, #tpu.memory_space<hbm>>
        tpu.enqueue_indirect_dma source(%dma_start3A_335 : memref<10000x64xf32, #tpu.memory_space<hbm>>) target(%dma_start3A_331 : memref<72x64xf32, #tpu.memory_space<vmem>>) offsets(%dma_start3A_332 : memref<72xi32, #tpu.memory_space<vmem>>) semaphore(%arg20 : memref<!tpu.dma_semaphore, #tpu.memory_space<semaphore_mem>>)
        %add3A_336 = arith.constant 0 : i32
        %add3A_337 = arith.addi %mul3A_317, %add3A_336 : i32
        %dma_start3A_338 = arith.constant 0 : i32
        %dma_start3A_339 = arith.constant 0 : i32
        %dma_start3A_340 = tpu.memref_slice %arg14[%dma_start3A_338, %dma_start3A_339] : memref<200x64xf32, #tpu.memory_space<vmem>> -> memref<128x64xf32, #tpu.memory_space<vmem>>
        %dma_start3A_341 = tpu.memref_slice %arg8[%add3A_337] : memref<5000xi32, #tpu.memory_space<vmem>> -> memref<128xi32, #tpu.memory_space<vmem>>
        %dma_start3A_342 = arith.constant 0 : i32
        %dma_start3A_343 = arith.constant 0 : i32
        %dma_start3A_344 = tpu.memref_slice %arg5[%dma_start3A_342, %dma_start3A_343] : memref<10000x64xf32, #tpu.memory_space<hbm>> -> memref<10000x64xf32, #tpu.memory_space<hbm>>
        tpu.enqueue_indirect_dma source(%dma_start3A_344 : memref<10000x64xf32, #tpu.memory_space<hbm>>) target(%dma_start3A_340 : memref<128x64xf32, #tpu.memory_space<vmem>>) offsets(%dma_start3A_341 : memref<128xi32, #tpu.memory_space<vmem>>) semaphore(%arg22 : memref<!tpu.dma_semaphore, #tpu.memory_space<semaphore_mem>>)
        %add3A_345 = arith.constant 128 : i32
        %add3A_346 = arith.addi %mul3A_317, %add3A_345 : i32
        %dma_start3A_347 = arith.constant 128 : i32
        %dma_start3A_348 = arith.constant 0 : i32
        %dma_start3A_349 = tpu.memref_slice %arg14[%dma_start3A_347, %dma_start3A_348] : memref<200x64xf32, #tpu.memory_space<vmem>> -> memref<72x64xf32, #tpu.memory_space<vmem>>
        %dma_start3A_350 = tpu.memref_slice %arg8[%add3A_346] : memref<5000xi32, #tpu.memory_space<vmem>> -> memref<72xi32, #tpu.memory_space<vmem>>
        %dma_start3A_351 = arith.constant 0 : i32
        %dma_start3A_352 = arith.constant 0 : i32
        %dma_start3A_353 = tpu.memref_slice %arg5[%dma_start3A_351, %dma_start3A_352] : memref<10000x64xf32, #tpu.memory_space<hbm>> -> memref<10000x64xf32, #tpu.memory_space<hbm>>
        tpu.enqueue_indirect_dma source(%dma_start3A_353 : memref<10000x64xf32, #tpu.memory_space<hbm>>) target(%dma_start3A_349 : memref<72x64xf32, #tpu.memory_space<vmem>>) offsets(%dma_start3A_350 : memref<72xi32, #tpu.memory_space<vmem>>) semaphore(%arg22 : memref<!tpu.dma_semaphore, #tpu.memory_space<semaphore_mem>>)
        %add3A_354 = arith.constant 0 : i32
        %add3A_355 = arith.addi %mul3A_317, %add3A_354 : i32
        %dma_start3A_356 = arith.constant 0 : i32
        %dma_start3A_357 = arith.constant 0 : i32
        %dma_start3A_358 = tpu.memref_slice %arg16[%dma_start3A_356, %dma_start3A_357] : memref<200x64xf32, #tpu.memory_space<vmem>> -> memref<128x64xf32, #tpu.memory_space<vmem>>
        %dma_start3A_359 = tpu.memref_slice %arg9[%add3A_355] : memref<5000xi32, #tpu.memory_space<vmem>> -> memref<128xi32, #tpu.memory_space<vmem>>
        %dma_start3A_360 = arith.constant 0 : i32
        %dma_start3A_361 = arith.constant 0 : i32
        %dma_start3A_362 = tpu.memref_slice %arg4[%dma_start3A_360, %dma_start3A_361] : memref<10000x64xf32, #tpu.memory_space<hbm>> -> memref<10000x64xf32, #tpu.memory_space<hbm>>
        tpu.enqueue_indirect_dma source(%dma_start3A_362 : memref<10000x64xf32, #tpu.memory_space<hbm>>) target(%dma_start3A_358 : memref<128x64xf32, #tpu.memory_space<vmem>>) offsets(%dma_start3A_359 : memref<128xi32, #tpu.memory_space<vmem>>) semaphore(%arg24 : memref<!tpu.dma_semaphore, #tpu.memory_space<semaphore_mem>>)
        %add3A_363 = arith.constant 128 : i32
        %add3A_364 = arith.addi %mul3A_317, %add3A_363 : i32
        %dma_start3A_365 = arith.constant 128 : i32
        %dma_start3A_366 = arith.constant 0 : i32
        %dma_start3A_367 = tpu.memref_slice %arg16[%dma_start3A_365, %dma_start3A_366] : memref<200x64xf32, #tpu.memory_space<vmem>> -> memref<72x64xf32, #tpu.memory_space<vmem>>
        %dma_start3A_368 = tpu.memref_slice %arg9[%add3A_364] : memref<5000xi32, #tpu.memory_space<vmem>> -> memref<72xi32, #tpu.memory_space<vmem>>
        %dma_start3A_369 = arith.constant 0 : i32
        %dma_start3A_370 = arith.constant 0 : i32
        %dma_start3A_371 = tpu.memref_slice %arg4[%dma_start3A_369, %dma_start3A_370] : memref<10000x64xf32, #tpu.memory_space<hbm>> -> memref<10000x64xf32, #tpu.memory_space<hbm>>
        tpu.enqueue_indirect_dma source(%dma_start3A_371 : memref<10000x64xf32, #tpu.memory_space<hbm>>) target(%dma_start3A_367 : memref<72x64xf32, #tpu.memory_space<vmem>>) offsets(%dma_start3A_368 : memref<72xi32, #tpu.memory_space<vmem>>) semaphore(%arg24 : memref<!tpu.dma_semaphore, #tpu.memory_space<semaphore_mem>>)
        %add3A_372 = arith.constant 0 : i32
        %add3A_373 = arith.addi %mul3A_317, %add3A_372 : i32
        %dma_start3A_374 = arith.constant 0 : i32
        %dma_start3A_375 = arith.constant 0 : i32
        %dma_start3A_376 = tpu.memref_slice %arg18[%dma_start3A_374, %dma_start3A_375] : memref<200x64xf32, #tpu.memory_space<vmem>> -> memref<128x64xf32, #tpu.memory_space<vmem>>
        %dma_start3A_377 = tpu.memref_slice %arg10[%add3A_373] : memref<5000xi32, #tpu.memory_space<vmem>> -> memref<128xi32, #tpu.memory_space<vmem>>
        %dma_start3A_378 = arith.constant 0 : i32
        %dma_start3A_379 = arith.constant 0 : i32
        %dma_start3A_380 = tpu.memref_slice %arg5[%dma_start3A_378, %dma_start3A_379] : memref<10000x64xf32, #tpu.memory_space<hbm>> -> memref<10000x64xf32, #tpu.memory_space<hbm>>
        tpu.enqueue_indirect_dma source(%dma_start3A_380 : memref<10000x64xf32, #tpu.memory_space<hbm>>) target(%dma_start3A_376 : memref<128x64xf32, #tpu.memory_space<vmem>>) offsets(%dma_start3A_377 : memref<128xi32, #tpu.memory_space<vmem>>) semaphore(%arg26 : memref<!tpu.dma_semaphore, #tpu.memory_space<semaphore_mem>>)
        %add3A_381 = arith.constant 128 : i32
        %add3A_382 = arith.addi %mul3A_317, %add3A_381 : i32
        %dma_start3A_383 = arith.constant 128 : i32
        %dma_start3A_384 = arith.constant 0 : i32
        %dma_start3A_385 = tpu.memref_slice %arg18[%dma_start3A_383, %dma_start3A_384] : memref<200x64xf32, #tpu.memory_space<vmem>> -> memref<72x64xf32, #tpu.memory_space<vmem>>
        %dma_start3A_386 = tpu.memref_slice %arg10[%add3A_382] : memref<5000xi32, #tpu.memory_space<vmem>> -> memref<72xi32, #tpu.memory_space<vmem>>
        %dma_start3A_387 = arith.constant 0 : i32
        %dma_start3A_388 = arith.constant 0 : i32
        %dma_start3A_389 = tpu.memref_slice %arg5[%dma_start3A_387, %dma_start3A_388] : memref<10000x64xf32, #tpu.memory_space<hbm>> -> memref<10000x64xf32, #tpu.memory_space<hbm>>
        tpu.enqueue_indirect_dma source(%dma_start3A_389 : memref<10000x64xf32, #tpu.memory_space<hbm>>) target(%dma_start3A_385 : memref<72x64xf32, #tpu.memory_space<vmem>>) offsets(%dma_start3A_386 : memref<72xi32, #tpu.memory_space<vmem>>) semaphore(%arg26 : memref<!tpu.dma_semaphore, #tpu.memory_space<semaphore_mem>>)
      } else {
      }
    }
    %scan3A_138 = arith.constant 12 : i32
    %dma_wait3A = arith.constant 0 : i32
    %dma_wait3A_139 = arith.constant 0 : i32
    %dma_wait3A_140 = tpu.memref_slice %arg4[%dma_wait3A, %dma_wait3A_139] : memref<10000x64xf32, #tpu.memory_space<hbm>> -> memref<200x64xf32, #tpu.memory_space<hbm>>
    %dma_wait3A_141 = arith.constant 0 : i32
    %dma_wait3A_142 = arith.constant 0 : i32
    %dma_wait3A_143 = tpu.memref_slice %arg4[%dma_wait3A_141, %dma_wait3A_142] : memref<10000x64xf32, #tpu.memory_space<hbm>> -> memref<200x64xf32, #tpu.memory_space<hbm>>
    tpu.wait_dma2 semaphore(%arg19 : memref<!tpu.dma_semaphore, #tpu.memory_space<semaphore_mem>>) src(%dma_wait3A_143 : memref<200x64xf32, #tpu.memory_space<hbm>>) dst(%arg11 : memref<200x64xf32, #tpu.memory_space<vmem>>)
    %dma_wait3A_144 = arith.constant 0 : i32
    %dma_wait3A_145 = arith.constant 0 : i32
    %dma_wait3A_146 = tpu.memref_slice %arg4[%dma_wait3A_144, %dma_wait3A_145] : memref<10000x64xf32, #tpu.memory_space<hbm>> -> memref<200x64xf32, #tpu.memory_space<hbm>>
    %dma_wait3A_147 = arith.constant 0 : i32
    %dma_wait3A_148 = arith.constant 0 : i32
    %dma_wait3A_149 = tpu.memref_slice %arg4[%dma_wait3A_147, %dma_wait3A_148] : memref<10000x64xf32, #tpu.memory_space<hbm>> -> memref<200x64xf32, #tpu.memory_space<hbm>>
    tpu.wait_dma2 semaphore(%arg21 : memref<!tpu.dma_semaphore, #tpu.memory_space<semaphore_mem>>) src(%dma_wait3A_149 : memref<200x64xf32, #tpu.memory_space<hbm>>) dst(%arg13 : memref<200x64xf32, #tpu.memory_space<vmem>>)
    %dma_wait3A_150 = arith.constant 0 : i32
    %dma_wait3A_151 = arith.constant 0 : i32
    %dma_wait3A_152 = tpu.memref_slice %arg4[%dma_wait3A_150, %dma_wait3A_151] : memref<10000x64xf32, #tpu.memory_space<hbm>> -> memref<200x64xf32, #tpu.memory_space<hbm>>
    %dma_wait3A_153 = arith.constant 0 : i32
    %dma_wait3A_154 = arith.constant 0 : i32
    %dma_wait3A_155 = tpu.memref_slice %arg4[%dma_wait3A_153, %dma_wait3A_154] : memref<10000x64xf32, #tpu.memory_space<hbm>> -> memref<200x64xf32, #tpu.memory_space<hbm>>
    tpu.wait_dma2 semaphore(%arg23 : memref<!tpu.dma_semaphore, #tpu.memory_space<semaphore_mem>>) src(%dma_wait3A_155 : memref<200x64xf32, #tpu.memory_space<hbm>>) dst(%arg15 : memref<200x64xf32, #tpu.memory_space<vmem>>)
    %dma_wait3A_156 = arith.constant 0 : i32
    %dma_wait3A_157 = arith.constant 0 : i32
    %dma_wait3A_158 = tpu.memref_slice %arg4[%dma_wait3A_156, %dma_wait3A_157] : memref<10000x64xf32, #tpu.memory_space<hbm>> -> memref<200x64xf32, #tpu.memory_space<hbm>>
    %dma_wait3A_159 = arith.constant 0 : i32
    %dma_wait3A_160 = arith.constant 0 : i32
    %dma_wait3A_161 = tpu.memref_slice %arg4[%dma_wait3A_159, %dma_wait3A_160] : memref<10000x64xf32, #tpu.memory_space<hbm>> -> memref<200x64xf32, #tpu.memory_space<hbm>>
    tpu.wait_dma2 semaphore(%arg25 : memref<!tpu.dma_semaphore, #tpu.memory_space<semaphore_mem>>) src(%dma_wait3A_161 : memref<200x64xf32, #tpu.memory_space<hbm>>) dst(%arg17 : memref<200x64xf32, #tpu.memory_space<vmem>>)
    %scan3A_162 = arith.constant 0 : i32
    %scan3A_163 = arith.constant 0 : i32
    %scan3A_164 = arith.constant 200 : i32
    %scan3A_165 = arith.addi %scan3A_163, %scan3A_164 : i32
    %scan3A_166 = arith.constant 1 : i32
    scf.for %scan3A_202 = %scan3A_163 to %scan3A_165 step %scan3A_166  : i32 {
      %get3A = arith.index_cast %scan3A_202 : i32 to index
      %get3A_203 = arith.constant 0 : index
      %get3A_204 = tpu.vector_load %arg11[%get3A, %get3A_203] {strides = array<i32>} : memref<200x64xf32, #tpu.memory_space<vmem>>, vector<16xf32>,
      %bitcast3A = vector.bitcast %get3A_204 : vector<16xf32> to vector<32xbf16>
      %get3A_205 = arith.index_cast %scan3A_202 : i32 to index
      %get3A_206 = arith.constant 0 : index
      %get3A_207 = tpu.vector_load %arg13[%get3A_205, %get3A_206] {strides = array<i32>} : memref<200x64xf32, #tpu.memory_space<vmem>>, vector<16xf32>,
      %bitcast3A_208 = vector.bitcast %get3A_207 : vector<16xf32> to vector<32xbf16>
      %add3A_209 = arith.addf %bitcast3A, %bitcast3A_208 : vector<32xbf16>
      %bitcast3A_210 = vector.bitcast %add3A_209 : vector<32xbf16> to vector<16xf32>
      %swap3A = arith.index_cast %scan3A_202 : i32 to index
      %swap3A_211 = arith.constant 0 : index
      %swap3A_212 = tpu.vector_load %arg11[%swap3A, %swap3A_211] {strides = array<i32>} : memref<200x64xf32, #tpu.memory_space<vmem>>, vector<16xf32>,
      tpu.vector_store %arg11[%swap3A, %swap3A_211], %bitcast3A_210 {strides = array<i32>} : memref<200x64xf32, #tpu.memory_space<vmem>>, vector<16xf32>,
      %get3A_213 = arith.index_cast %scan3A_202 : i32 to index
      %get3A_214 = arith.constant 0 : index
      %get3A_215 = tpu.vector_load %arg15[%get3A_213, %get3A_214] {strides = array<i32>} : memref<200x64xf32, #tpu.memory_space<vmem>>, vector<16xf32>,
      %bitcast3A_216 = vector.bitcast %get3A_215 : vector<16xf32> to vector<32xbf16>
      %get3A_217 = arith.index_cast %scan3A_202 : i32 to index
      %get3A_218 = arith.constant 0 : index
      %get3A_219 = tpu.vector_load %arg17[%get3A_217, %get3A_218] {strides = array<i32>} : memref<200x64xf32, #tpu.memory_space<vmem>>, vector<16xf32>,
      %bitcast3A_220 = vector.bitcast %get3A_219 : vector<16xf32> to vector<32xbf16>
      %add3A_221 = arith.addf %bitcast3A_216, %bitcast3A_220 : vector<32xbf16>
      %bitcast3A_222 = vector.bitcast %add3A_221 : vector<32xbf16> to vector<16xf32>
      %swap3A_223 = arith.index_cast %scan3A_202 : i32 to index
      %swap3A_224 = arith.constant 0 : index
      %swap3A_225 = tpu.vector_load %arg15[%swap3A_223, %swap3A_224] {strides = array<i32>} : memref<200x64xf32, #tpu.memory_space<vmem>>, vector<16xf32>,
      tpu.vector_store %arg15[%swap3A_223, %swap3A_224], %bitcast3A_222 {strides = array<i32>} : memref<200x64xf32, #tpu.memory_space<vmem>>, vector<16xf32>,
      %get3A_226 = arith.index_cast %scan3A_202 : i32 to index
      %get3A_227 = arith.constant 16 : index
      %get3A_228 = tpu.vector_load %arg11[%get3A_226, %get3A_227] {strides = array<i32>} : memref<200x64xf32, #tpu.memory_space<vmem>>, vector<16xf32>,
      %bitcast3A_229 = vector.bitcast %get3A_228 : vector<16xf32> to vector<32xbf16>
      %get3A_230 = arith.index_cast %scan3A_202 : i32 to index
      %get3A_231 = arith.constant 16 : index
      %get3A_232 = tpu.vector_load %arg13[%get3A_230, %get3A_231] {strides = array<i32>} : memref<200x64xf32, #tpu.memory_space<vmem>>, vector<16xf32>,
      %bitcast3A_233 = vector.bitcast %get3A_232 : vector<16xf32> to vector<32xbf16>
      %add3A_234 = arith.addf %bitcast3A_229, %bitcast3A_233 : vector<32xbf16>
      %bitcast3A_235 = vector.bitcast %add3A_234 : vector<32xbf16> to vector<16xf32>
      %swap3A_236 = arith.index_cast %scan3A_202 : i32 to index
      %swap3A_237 = arith.constant 16 : index
      %swap3A_238 = tpu.vector_load %arg11[%swap3A_236, %swap3A_237] {strides = array<i32>} : memref<200x64xf32, #tpu.memory_space<vmem>>, vector<16xf32>,
      tpu.vector_store %arg11[%swap3A_236, %swap3A_237], %bitcast3A_235 {strides = array<i32>} : memref<200x64xf32, #tpu.memory_space<vmem>>, vector<16xf32>,
      %get3A_239 = arith.index_cast %scan3A_202 : i32 to index
      %get3A_240 = arith.constant 16 : index
      %get3A_241 = tpu.vector_load %arg15[%get3A_239, %get3A_240] {strides = array<i32>} : memref<200x64xf32, #tpu.memory_space<vmem>>, vector<16xf32>,
      %bitcast3A_242 = vector.bitcast %get3A_241 : vector<16xf32> to vector<32xbf16>
      %get3A_243 = arith.index_cast %scan3A_202 : i32 to index
      %get3A_244 = arith.constant 16 : index
      %get3A_245 = tpu.vector_load %arg17[%get3A_243, %get3A_244] {strides = array<i32>} : memref<200x64xf32, #tpu.memory_space<vmem>>, vector<16xf32>,
      %bitcast3A_246 = vector.bitcast %get3A_245 : vector<16xf32> to vector<32xbf16>
      %add3A_247 = arith.addf %bitcast3A_242, %bitcast3A_246 : vector<32xbf16>
      %bitcast3A_248 = vector.bitcast %add3A_247 : vector<32xbf16> to vector<16xf32>
      %swap3A_249 = arith.index_cast %scan3A_202 : i32 to index
      %swap3A_250 = arith.constant 16 : index
      %swap3A_251 = tpu.vector_load %arg15[%swap3A_249, %swap3A_250] {strides = array<i32>} : memref<200x64xf32, #tpu.memory_space<vmem>>, vector<16xf32>,
      tpu.vector_store %arg15[%swap3A_249, %swap3A_250], %bitcast3A_248 {strides = array<i32>} : memref<200x64xf32, #tpu.memory_space<vmem>>, vector<16xf32>,
      %get3A_252 = arith.index_cast %scan3A_202 : i32 to index
      %get3A_253 = arith.constant 32 : index
      %get3A_254 = tpu.vector_load %arg11[%get3A_252, %get3A_253] {strides = array<i32>} : memref<200x64xf32, #tpu.memory_space<vmem>>, vector<16xf32>,
      %bitcast3A_255 = vector.bitcast %get3A_254 : vector<16xf32> to vector<32xbf16>
      %get3A_256 = arith.index_cast %scan3A_202 : i32 to index
      %get3A_257 = arith.constant 32 : index
      %get3A_258 = tpu.vector_load %arg13[%get3A_256, %get3A_257] {strides = array<i32>} : memref<200x64xf32, #tpu.memory_space<vmem>>, vector<16xf32>,
      %bitcast3A_259 = vector.bitcast %get3A_258 : vector<16xf32> to vector<32xbf16>
      %add3A_260 = arith.addf %bitcast3A_255, %bitcast3A_259 : vector<32xbf16>
      %bitcast3A_261 = vector.bitcast %add3A_260 : vector<32xbf16> to vector<16xf32>
      %swap3A_262 = arith.index_cast %scan3A_202 : i32 to index
      %swap3A_263 = arith.constant 32 : index
      %swap3A_264 = tpu.vector_load %arg11[%swap3A_262, %swap3A_263] {strides = array<i32>} : memref<200x64xf32, #tpu.memory_space<vmem>>, vector<16xf32>,
      tpu.vector_store %arg11[%swap3A_262, %swap3A_263], %bitcast3A_261 {strides = array<i32>} : memref<200x64xf32, #tpu.memory_space<vmem>>, vector<16xf32>,
      %get3A_265 = arith.index_cast %scan3A_202 : i32 to index
      %get3A_266 = arith.constant 32 : index
      %get3A_267 = tpu.vector_load %arg15[%get3A_265, %get3A_266] {strides = array<i32>} : memref<200x64xf32, #tpu.memory_space<vmem>>, vector<16xf32>,
      %bitcast3A_268 = vector.bitcast %get3A_267 : vector<16xf32> to vector<32xbf16>
      %get3A_269 = arith.index_cast %scan3A_202 : i32 to index
      %get3A_270 = arith.constant 32 : index
      %get3A_271 = tpu.vector_load %arg17[%get3A_269, %get3A_270] {strides = array<i32>} : memref<200x64xf32, #tpu.memory_space<vmem>>, vector<16xf32>,
      %bitcast3A_272 = vector.bitcast %get3A_271 : vector<16xf32> to vector<32xbf16>
      %add3A_273 = arith.addf %bitcast3A_268, %bitcast3A_272 : vector<32xbf16>
      %bitcast3A_274 = vector.bitcast %add3A_273 : vector<32xbf16> to vector<16xf32>
      %swap3A_275 = arith.index_cast %scan3A_202 : i32 to index
      %swap3A_276 = arith.constant 32 : index
      %swap3A_277 = tpu.vector_load %arg15[%swap3A_275, %swap3A_276] {strides = array<i32>} : memref<200x64xf32, #tpu.memory_space<vmem>>, vector<16xf32>,
      tpu.vector_store %arg15[%swap3A_275, %swap3A_276], %bitcast3A_274 {strides = array<i32>} : memref<200x64xf32, #tpu.memory_space<vmem>>, vector<16xf32>,
      %get3A_278 = arith.index_cast %scan3A_202 : i32 to index
      %get3A_279 = arith.constant 48 : index
      %get3A_280 = tpu.vector_load %arg11[%get3A_278, %get3A_279] {strides = array<i32>} : memref<200x64xf32, #tpu.memory_space<vmem>>, vector<16xf32>,
      %bitcast3A_281 = vector.bitcast %get3A_280 : vector<16xf32> to vector<32xbf16>
      %get3A_282 = arith.index_cast %scan3A_202 : i32 to index
      %get3A_283 = arith.constant 48 : index
      %get3A_284 = tpu.vector_load %arg13[%get3A_282, %get3A_283] {strides = array<i32>} : memref<200x64xf32, #tpu.memory_space<vmem>>, vector<16xf32>,
      %bitcast3A_285 = vector.bitcast %get3A_284 : vector<16xf32> to vector<32xbf16>
      %add3A_286 = arith.addf %bitcast3A_281, %bitcast3A_285 : vector<32xbf16>
      %bitcast3A_287 = vector.bitcast %add3A_286 : vector<32xbf16> to vector<16xf32>
      %swap3A_288 = arith.index_cast %scan3A_202 : i32 to index
      %swap3A_289 = arith.constant 48 : index
      %swap3A_290 = tpu.vector_load %arg11[%swap3A_288, %swap3A_289] {strides = array<i32>} : memref<200x64xf32, #tpu.memory_space<vmem>>, vector<16xf32>,
      tpu.vector_store %arg11[%swap3A_288, %swap3A_289], %bitcast3A_287 {strides = array<i32>} : memref<200x64xf32, #tpu.memory_space<vmem>>, vector<16xf32>,
      %get3A_291 = arith.index_cast %scan3A_202 : i32 to index
      %get3A_292 = arith.constant 48 : index
      %get3A_293 = tpu.vector_load %arg15[%get3A_291, %get3A_292] {strides = array<i32>} : memref<200x64xf32, #tpu.memory_space<vmem>>, vector<16xf32>,
      %bitcast3A_294 = vector.bitcast %get3A_293 : vector<16xf32> to vector<32xbf16>
      %get3A_295 = arith.index_cast %scan3A_202 : i32 to index
      %get3A_296 = arith.constant 48 : index
      %get3A_297 = tpu.vector_load %arg17[%get3A_295, %get3A_296] {strides = array<i32>} : memref<200x64xf32, #tpu.memory_space<vmem>>, vector<16xf32>,
      %bitcast3A_298 = vector.bitcast %get3A_297 : vector<16xf32> to vector<32xbf16>
      %add3A_299 = arith.addf %bitcast3A_294, %bitcast3A_298 : vector<32xbf16>
      %bitcast3A_300 = vector.bitcast %add3A_299 : vector<32xbf16> to vector<16xf32>
      %swap3A_301 = arith.index_cast %scan3A_202 : i32 to index
      %swap3A_302 = arith.constant 48 : index
      %swap3A_303 = tpu.vector_load %arg15[%swap3A_301, %swap3A_302] {strides = array<i32>} : memref<200x64xf32, #tpu.memory_space<vmem>>, vector<16xf32>,
      tpu.vector_store %arg15[%swap3A_301, %swap3A_302], %bitcast3A_300 {strides = array<i32>} : memref<200x64xf32, #tpu.memory_space<vmem>>, vector<16xf32>,
    }
    %scan3A_167 = arith.constant 200 : i32
    %add3A_168 = arith.constant 4800 : i32
    %add3A_169 = arith.addi %mul3A_2, %add3A_168 : i32
    %dma_start3A_170 = arith.constant 0 : i32
    %dma_start3A_171 = tpu.memref_slice %arg6[%add3A_169, %dma_start3A_170] : memref<160000x128xf32, #tpu.memory_space<hbm>> -> memref<200x64xf32, #tpu.memory_space<hbm>>
    %dma_start3A_172 = arith.constant 0 : i32
    %dma_start3A_173 = tpu.memref_slice %arg6[%add3A_169, %dma_start3A_172] : memref<160000x128xf32, #tpu.memory_space<hbm>> -> memref<200x64xf32, #tpu.memory_space<hbm>>
    tpu.enqueue_dma source(%arg11 : memref<200x64xf32, #tpu.memory_space<vmem>>) target(%dma_start3A_173 : memref<200x64xf32, #tpu.memory_space<hbm>>) target_semaphore(%arg27 : memref<!tpu.dma_semaphore, #tpu.memory_space<semaphore_mem>>)
    %dma_start3A_174 = arith.constant 64 : i32
    %dma_start3A_175 = tpu.memref_slice %arg6[%add3A_169, %dma_start3A_174] : memref<160000x128xf32, #tpu.memory_space<hbm>> -> memref<200x64xf32, #tpu.memory_space<hbm>>
    %dma_start3A_176 = arith.constant 64 : i32
    %dma_start3A_177 = tpu.memref_slice %arg6[%add3A_169, %dma_start3A_176] : memref<160000x128xf32, #tpu.memory_space<hbm>> -> memref<200x64xf32, #tpu.memory_space<hbm>>
    tpu.enqueue_dma source(%arg15 : memref<200x64xf32, #tpu.memory_space<vmem>>) target(%dma_start3A_177 : memref<200x64xf32, #tpu.memory_space<hbm>>) target_semaphore(%arg27 : memref<!tpu.dma_semaphore, #tpu.memory_space<semaphore_mem>>)
    %dma_wait3A_178 = arith.constant 0 : i32
    %dma_wait3A_179 = arith.constant 0 : i32
    %dma_wait3A_180 = tpu.memref_slice %arg4[%dma_wait3A_178, %dma_wait3A_179] : memref<10000x64xf32, #tpu.memory_space<hbm>> -> memref<200x64xf32, #tpu.memory_space<hbm>>
    %dma_wait3A_181 = arith.constant 0 : i32
    %dma_wait3A_182 = arith.constant 0 : i32
    %dma_wait3A_183 = tpu.memref_slice %arg4[%dma_wait3A_181, %dma_wait3A_182] : memref<10000x64xf32, #tpu.memory_space<hbm>> -> memref<200x64xf32, #tpu.memory_space<hbm>>
    tpu.wait_dma2 semaphore(%arg27 : memref<!tpu.dma_semaphore, #tpu.memory_space<semaphore_mem>>) src(%dma_wait3A_183 : memref<200x64xf32, #tpu.memory_space<hbm>>) dst(%arg11 : memref<200x64xf32, #tpu.memory_space<vmem>>)
    %dma_wait3A_184 = arith.constant 0 : i32
    %dma_wait3A_185 = arith.constant 0 : i32
    %dma_wait3A_186 = tpu.memref_slice %arg4[%dma_wait3A_184, %dma_wait3A_185] : memref<10000x64xf32, #tpu.memory_space<hbm>> -> memref<200x64xf32, #tpu.memory_space<hbm>>
    %dma_wait3A_187 = arith.constant 0 : i32
    %dma_wait3A_188 = arith.constant 0 : i32
    %dma_wait3A_189 = tpu.memref_slice %arg4[%dma_wait3A_187, %dma_wait3A_188] : memref<10000x64xf32, #tpu.memory_space<hbm>> -> memref<200x64xf32, #tpu.memory_space<hbm>>
    tpu.wait_dma2 semaphore(%arg27 : memref<!tpu.dma_semaphore, #tpu.memory_space<semaphore_mem>>) src(%dma_wait3A_189 : memref<200x64xf32, #tpu.memory_space<hbm>>) dst(%arg15 : memref<200x64xf32, #tpu.memory_space<vmem>>)
    %dma_wait3A_190 = arith.constant 0 : i32
    %dma_wait3A_191 = arith.constant 0 : i32
    %dma_wait3A_192 = tpu.memref_slice %arg4[%dma_wait3A_190, %dma_wait3A_191] : memref<10000x64xf32, #tpu.memory_space<hbm>> -> memref<200x64xf32, #tpu.memory_space<hbm>>
    %dma_wait3A_193 = arith.constant 0 : i32
    %dma_wait3A_194 = arith.constant 0 : i32
    %dma_wait3A_195 = tpu.memref_slice %arg4[%dma_wait3A_193, %dma_wait3A_194] : memref<10000x64xf32, #tpu.memory_space<hbm>> -> memref<200x64xf32, #tpu.memory_space<hbm>>
    tpu.wait_dma2 semaphore(%arg28 : memref<!tpu.dma_semaphore, #tpu.memory_space<semaphore_mem>>) src(%dma_wait3A_195 : memref<200x64xf32, #tpu.memory_space<hbm>>) dst(%arg12 : memref<200x64xf32, #tpu.memory_space<vmem>>)
    %dma_wait3A_196 = arith.constant 0 : i32
    %dma_wait3A_197 = arith.constant 0 : i32
    %dma_wait3A_198 = tpu.memref_slice %arg4[%dma_wait3A_196, %dma_wait3A_197] : memref<10000x64xf32, #tpu.memory_space<hbm>> -> memref<200x64xf32, #tpu.memory_space<hbm>>
    %dma_wait3A_199 = arith.constant 0 : i32
    %dma_wait3A_200 = arith.constant 0 : i32
    %dma_wait3A_201 = tpu.memref_slice %arg4[%dma_wait3A_199, %dma_wait3A_200] : memref<10000x64xf32, #tpu.memory_space<hbm>> -> memref<200x64xf32, #tpu.memory_space<hbm>>
    tpu.wait_dma2 semaphore(%arg28 : memref<!tpu.dma_semaphore, #tpu.memory_space<semaphore_mem>>) src(%dma_wait3A_201 : memref<200x64xf32, #tpu.memory_space<hbm>>) dst(%arg16 : memref<200x64xf32, #tpu.memory_space<vmem>>)
    return
  }
}

#map = affine_map<(d0, d1) -> (0)>
module attributes {stable_mosaic.version = 14 : i64} {
  func.func @scatter(%arg0: i32, %arg1: i32, %arg2: memref<320000xi32, #tpu.memory_space<hbm>>, %arg3: memref<320000xf32, #tpu.memory_space<hbm>>, %arg4: memref<320000xf32, #tpu.memory_space<hbm>>, %arg5: memref<320000xf32, #tpu.memory_space<hbm>>, %arg6: memref<320000xf32, #tpu.memory_space<hbm>>, %arg7: memref<320000xf32, #tpu.memory_space<hbm>>, %arg8: memref<320000xf32, #tpu.memory_space<hbm>>, %arg9: memref<10000xi32, #tpu.memory_space<vmem>>, %arg10: memref<10000xf32, #tpu.memory_space<vmem>>, %arg11: memref<10000xf32, #tpu.memory_space<vmem>>, %arg12: memref<10000xf32, #tpu.memory_space<vmem>>, %arg13: memref<10000xf32, #tpu.memory_space<vmem>>, %arg14: memref<10000xf32, #tpu.memory_space<vmem>>, %arg15: memref<10000xf32, #tpu.memory_space<vmem>>) attributes {dimension_semantics = [#tpu.dimension_semantics<core_parallel>, #tpu.dimension_semantics<subcore_parallel>], iteration_bounds = array<i64: 2, 16>, scalar_prefetch = 0 : i64, scratch_operands = 7 : i64, tpu.core_type = #tpu.core_type<sc_vector_subcore>, window_params = [{transform_indices = #map}, {transform_indices = #map}, {transform_indices = #map}, {transform_indices = #map}, {transform_indices = #map}, {transform_indices = #map}, {transform_indices = #map}]} {
    %mul3A = arith.constant 2 : i32
    %mul3A_0 = arith.muli %arg1, %mul3A : i32
    %add3A = arith.addi %mul3A_0, %arg0 : i32
    %mul3A_1 = arith.constant 10000 : i32
    %mul3A_2 = arith.muli %add3A, %mul3A_1 : i32
    "tpu.region"() ({
      %run_scoped3A = tpu.sem_alloc : memref<!tpu.dma_semaphore, #tpu.memory_space<semaphore_mem>>
      %dma_start3A = tpu.memref_slice %arg2[%mul3A_2] : memref<320000xi32, #tpu.memory_space<hbm>> -> memref<10000xi32, #tpu.memory_space<hbm>>
      %dma_start3A_21 = tpu.memref_slice %arg2[%mul3A_2] : memref<320000xi32, #tpu.memory_space<hbm>> -> memref<10000xi32, #tpu.memory_space<hbm>>
      tpu.enqueue_dma source(%dma_start3A_21 : memref<10000xi32, #tpu.memory_space<hbm>>) target(%arg9 : memref<10000xi32, #tpu.memory_space<vmem>>) target_semaphore(%run_scoped3A : memref<!tpu.dma_semaphore, #tpu.memory_space<semaphore_mem>>)
      %dma_wait3A = tpu.memref_slice %arg2[%mul3A_2] : memref<320000xi32, #tpu.memory_space<hbm>> -> memref<10000xi32, #tpu.memory_space<hbm>>
      %dma_wait3A_22 = tpu.memref_slice %arg2[%mul3A_2] : memref<320000xi32, #tpu.memory_space<hbm>> -> memref<10000xi32, #tpu.memory_space<hbm>>
      tpu.wait_dma2 semaphore(%run_scoped3A : memref<!tpu.dma_semaphore, #tpu.memory_space<semaphore_mem>>) src(%dma_wait3A_22 : memref<10000xi32, #tpu.memory_space<hbm>>) dst(%arg9 : memref<10000xi32, #tpu.memory_space<vmem>>)
      tpu.yield
    }) : () -> ()
    "tpu.region"() ({
      %run_scoped3A = tpu.sem_alloc : memref<!tpu.dma_semaphore, #tpu.memory_space<semaphore_mem>>
      %dma_start3A = tpu.memref_slice %arg3[%mul3A_2] : memref<320000xf32, #tpu.memory_space<hbm>> -> memref<10000xf32, #tpu.memory_space<hbm>>
      %dma_start3A_21 = tpu.memref_slice %arg3[%mul3A_2] : memref<320000xf32, #tpu.memory_space<hbm>> -> memref<10000xf32, #tpu.memory_space<hbm>>
      tpu.enqueue_dma source(%dma_start3A_21 : memref<10000xf32, #tpu.memory_space<hbm>>) target(%arg10 : memref<10000xf32, #tpu.memory_space<vmem>>) target_semaphore(%run_scoped3A : memref<!tpu.dma_semaphore, #tpu.memory_space<semaphore_mem>>)
      %dma_wait3A = tpu.memref_slice %arg3[%mul3A_2] : memref<320000xf32, #tpu.memory_space<hbm>> -> memref<10000xf32, #tpu.memory_space<hbm>>
      %dma_wait3A_22 = tpu.memref_slice %arg3[%mul3A_2] : memref<320000xf32, #tpu.memory_space<hbm>> -> memref<10000xf32, #tpu.memory_space<hbm>>
      tpu.wait_dma2 semaphore(%run_scoped3A : memref<!tpu.dma_semaphore, #tpu.memory_space<semaphore_mem>>) src(%dma_wait3A_22 : memref<10000xf32, #tpu.memory_space<hbm>>) dst(%arg10 : memref<10000xf32, #tpu.memory_space<vmem>>)
      tpu.yield
    }) : () -> ()
    "tpu.region"() ({
      %run_scoped3A = tpu.sem_alloc : memref<!tpu.dma_semaphore, #tpu.memory_space<semaphore_mem>>
      %dma_start3A = tpu.memref_slice %arg4[%mul3A_2] : memref<320000xf32, #tpu.memory_space<hbm>> -> memref<10000xf32, #tpu.memory_space<hbm>>
      %dma_start3A_21 = tpu.memref_slice %arg4[%mul3A_2] : memref<320000xf32, #tpu.memory_space<hbm>> -> memref<10000xf32, #tpu.memory_space<hbm>>
      tpu.enqueue_dma source(%dma_start3A_21 : memref<10000xf32, #tpu.memory_space<hbm>>) target(%arg11 : memref<10000xf32, #tpu.memory_space<vmem>>) target_semaphore(%run_scoped3A : memref<!tpu.dma_semaphore, #tpu.memory_space<semaphore_mem>>)
      %dma_wait3A = tpu.memref_slice %arg4[%mul3A_2] : memref<320000xf32, #tpu.memory_space<hbm>> -> memref<10000xf32, #tpu.memory_space<hbm>>
      %dma_wait3A_22 = tpu.memref_slice %arg4[%mul3A_2] : memref<320000xf32, #tpu.memory_space<hbm>> -> memref<10000xf32, #tpu.memory_space<hbm>>
      tpu.wait_dma2 semaphore(%run_scoped3A : memref<!tpu.dma_semaphore, #tpu.memory_space<semaphore_mem>>) src(%dma_wait3A_22 : memref<10000xf32, #tpu.memory_space<hbm>>) dst(%arg11 : memref<10000xf32, #tpu.memory_space<vmem>>)
      tpu.yield
    }) : () -> ()
    "tpu.region"() ({
      %run_scoped3A = tpu.sem_alloc : memref<!tpu.dma_semaphore, #tpu.memory_space<semaphore_mem>>
      %dma_start3A = tpu.memref_slice %arg5[%mul3A_2] : memref<320000xf32, #tpu.memory_space<hbm>> -> memref<10000xf32, #tpu.memory_space<hbm>>
      %dma_start3A_21 = tpu.memref_slice %arg5[%mul3A_2] : memref<320000xf32, #tpu.memory_space<hbm>> -> memref<10000xf32, #tpu.memory_space<hbm>>
      tpu.enqueue_dma source(%dma_start3A_21 : memref<10000xf32, #tpu.memory_space<hbm>>) target(%arg12 : memref<10000xf32, #tpu.memory_space<vmem>>) target_semaphore(%run_scoped3A : memref<!tpu.dma_semaphore, #tpu.memory_space<semaphore_mem>>)
      %dma_wait3A = tpu.memref_slice %arg5[%mul3A_2] : memref<320000xf32, #tpu.memory_space<hbm>> -> memref<10000xf32, #tpu.memory_space<hbm>>
      %dma_wait3A_22 = tpu.memref_slice %arg5[%mul3A_2] : memref<320000xf32, #tpu.memory_space<hbm>> -> memref<10000xf32, #tpu.memory_space<hbm>>
      tpu.wait_dma2 semaphore(%run_scoped3A : memref<!tpu.dma_semaphore, #tpu.memory_space<semaphore_mem>>) src(%dma_wait3A_22 : memref<10000xf32, #tpu.memory_space<hbm>>) dst(%arg12 : memref<10000xf32, #tpu.memory_space<vmem>>)
      tpu.yield
    }) : () -> ()
    %broadcast_in_dim3A = arith.constant 0.000000e+00 : f32
    %broadcast_in_dim3A_3 = vector.broadcast %broadcast_in_dim3A : f32 to vector<16xf32>
    %scan3A = arith.constant 0 : i32
    %scan3A_4 = arith.constant 0 : i32
    %scan3A_5 = arith.constant 625 : i32
    %scan3A_6 = arith.addi %scan3A_4, %scan3A_5 : i32
    %scan3A_7 = arith.constant 1 : i32
    scf.for %scan3A_21 = %scan3A_4 to %scan3A_6 step %scan3A_7  : i32 {
      %mul3A_22 = arith.constant 16 : i32
      %mul3A_23 = arith.muli %scan3A_21, %mul3A_22 : i32
      %swap3A = arith.index_cast %mul3A_23 : i32 to index
      %swap3A_24 = tpu.vector_load %arg13[%swap3A] {strides = array<i32>} : memref<10000xf32, #tpu.memory_space<vmem>>, vector<16xf32>,
      tpu.vector_store %arg13[%swap3A], %broadcast_in_dim3A_3 {strides = array<i32>} : memref<10000xf32, #tpu.memory_space<vmem>>, vector<16xf32>,
      %swap3A_25 = arith.index_cast %mul3A_23 : i32 to index
      %swap3A_26 = tpu.vector_load %arg14[%swap3A_25] {strides = array<i32>} : memref<10000xf32, #tpu.memory_space<vmem>>, vector<16xf32>,
      tpu.vector_store %arg14[%swap3A_25], %broadcast_in_dim3A_3 {strides = array<i32>} : memref<10000xf32, #tpu.memory_space<vmem>>, vector<16xf32>,
      %swap3A_27 = arith.index_cast %mul3A_23 : i32 to index
      %swap3A_28 = tpu.vector_load %arg15[%swap3A_27] {strides = array<i32>} : memref<10000xf32, #tpu.memory_space<vmem>>, vector<16xf32>,
      tpu.vector_store %arg15[%swap3A_27], %broadcast_in_dim3A_3 {strides = array<i32>} : memref<10000xf32, #tpu.memory_space<vmem>>, vector<16xf32>,
    }
    %scan3A_8 = arith.constant 625 : i32
    %scan3A_9 = arith.constant 0 : i32
    %scan3A_10 = arith.constant 0 : i32
    %scan3A_11 = arith.constant 625 : i32
    %scan3A_12 = arith.addi %scan3A_10, %scan3A_11 : i32
    %scan3A_13 = arith.constant 1 : i32
    scf.for %scan3A_21 = %scan3A_10 to %scan3A_12 step %scan3A_13  : i32 {
      %mul3A_22 = arith.constant 16 : i32
      %mul3A_23 = arith.muli %scan3A_21, %mul3A_22 : i32
      %get3A = arith.index_cast %mul3A_23 : i32 to index
      %get3A_24 = tpu.vector_load %arg9[%get3A] {strides = array<i32>} : memref<10000xi32, #tpu.memory_space<vmem>>, vector<16xi32>,
      %get3A_25 = arith.index_cast %mul3A_23 : i32 to index
      %get3A_26 = tpu.vector_load %arg10[%get3A_25] {strides = array<i32>} : memref<10000xf32, #tpu.memory_space<vmem>>, vector<16xf32>,
      tpu.vector_store_idx %arg13[%get3A_24], %get3A_26 {add = true} : memref<10000xf32, #tpu.memory_space<vmem>>[vector<16xi32>], vector<16xf32>,
      %get3A_27 = arith.index_cast %mul3A_23 : i32 to index
      %get3A_28 = tpu.vector_load %arg11[%get3A_27] {strides = array<i32>} : memref<10000xf32, #tpu.memory_space<vmem>>, vector<16xf32>,
      tpu.vector_store_idx %arg14[%get3A_24], %get3A_28 {add = true} : memref<10000xf32, #tpu.memory_space<vmem>>[vector<16xi32>], vector<16xf32>,
      %get3A_29 = arith.index_cast %mul3A_23 : i32 to index
      %get3A_30 = tpu.vector_load %arg12[%get3A_29] {strides = array<i32>} : memref<10000xf32, #tpu.memory_space<vmem>>, vector<16xf32>,
      tpu.vector_store_idx %arg15[%get3A_24], %get3A_30 {add = true} : memref<10000xf32, #tpu.memory_space<vmem>>[vector<16xi32>], vector<16xf32>,
    }
    %scan3A_14 = arith.constant 625 : i32
    %mul3A_15 = arith.constant 10000 : i32
    %mul3A_16 = arith.muli %add3A, %mul3A_15 : i32
    "tpu.region"() ({
      %run_scoped3A = tpu.sem_alloc : memref<!tpu.dma_semaphore, #tpu.memory_space<semaphore_mem>>
      %dma_start3A = tpu.memref_slice %arg6[%mul3A_16] : memref<320000xf32, #tpu.memory_space<hbm>> -> memref<10000xf32, #tpu.memory_space<hbm>>
      %dma_start3A_21 = tpu.memref_slice %arg6[%mul3A_16] : memref<320000xf32, #tpu.memory_space<hbm>> -> memref<10000xf32, #tpu.memory_space<hbm>>
      tpu.enqueue_dma source(%arg13 : memref<10000xf32, #tpu.memory_space<vmem>>) target(%dma_start3A_21 : memref<10000xf32, #tpu.memory_space<hbm>>) target_semaphore(%run_scoped3A : memref<!tpu.dma_semaphore, #tpu.memory_space<semaphore_mem>>)
      %dma_wait3A = tpu.memref_slice %arg6[%mul3A_16] : memref<320000xf32, #tpu.memory_space<hbm>> -> memref<10000xf32, #tpu.memory_space<hbm>>
      %dma_wait3A_22 = tpu.memref_slice %arg6[%mul3A_16] : memref<320000xf32, #tpu.memory_space<hbm>> -> memref<10000xf32, #tpu.memory_space<hbm>>
      tpu.wait_dma2 semaphore(%run_scoped3A : memref<!tpu.dma_semaphore, #tpu.memory_space<semaphore_mem>>) src(%arg13 : memref<10000xf32, #tpu.memory_space<vmem>>) dst(%dma_wait3A_22 : memref<10000xf32, #tpu.memory_space<hbm>>)
      tpu.yield
    }) : () -> ()
    %mul3A_17 = arith.constant 10000 : i32
    %mul3A_18 = arith.muli %add3A, %mul3A_17 : i32
    "tpu.region"() ({
      %run_scoped3A = tpu.sem_alloc : memref<!tpu.dma_semaphore, #tpu.memory_space<semaphore_mem>>
      %dma_start3A = tpu.memref_slice %arg7[%mul3A_18] : memref<320000xf32, #tpu.memory_space<hbm>> -> memref<10000xf32, #tpu.memory_space<hbm>>
      %dma_start3A_21 = tpu.memref_slice %arg7[%mul3A_18] : memref<320000xf32, #tpu.memory_space<hbm>> -> memref<10000xf32, #tpu.memory_space<hbm>>
      tpu.enqueue_dma source(%arg14 : memref<10000xf32, #tpu.memory_space<vmem>>) target(%dma_start3A_21 : memref<10000xf32, #tpu.memory_space<hbm>>) target_semaphore(%run_scoped3A : memref<!tpu.dma_semaphore, #tpu.memory_space<semaphore_mem>>)
      %dma_wait3A = tpu.memref_slice %arg7[%mul3A_18] : memref<320000xf32, #tpu.memory_space<hbm>> -> memref<10000xf32, #tpu.memory_space<hbm>>
      %dma_wait3A_22 = tpu.memref_slice %arg7[%mul3A_18] : memref<320000xf32, #tpu.memory_space<hbm>> -> memref<10000xf32, #tpu.memory_space<hbm>>
      tpu.wait_dma2 semaphore(%run_scoped3A : memref<!tpu.dma_semaphore, #tpu.memory_space<semaphore_mem>>) src(%arg14 : memref<10000xf32, #tpu.memory_space<vmem>>) dst(%dma_wait3A_22 : memref<10000xf32, #tpu.memory_space<hbm>>)
      tpu.yield
    }) : () -> ()
    %mul3A_19 = arith.constant 10000 : i32
    %mul3A_20 = arith.muli %add3A, %mul3A_19 : i32
    "tpu.region"() ({
      %run_scoped3A = tpu.sem_alloc : memref<!tpu.dma_semaphore, #tpu.memory_space<semaphore_mem>>
      %dma_start3A = tpu.memref_slice %arg8[%mul3A_20] : memref<320000xf32, #tpu.memory_space<hbm>> -> memref<10000xf32, #tpu.memory_space<hbm>>
      %dma_start3A_21 = tpu.memref_slice %arg8[%mul3A_20] : memref<320000xf32, #tpu.memory_space<hbm>> -> memref<10000xf32, #tpu.memory_space<hbm>>
      tpu.enqueue_dma source(%arg15 : memref<10000xf32, #tpu.memory_space<vmem>>) target(%dma_start3A_21 : memref<10000xf32, #tpu.memory_space<hbm>>) target_semaphore(%run_scoped3A : memref<!tpu.dma_semaphore, #tpu.memory_space<semaphore_mem>>)
      %dma_wait3A = tpu.memref_slice %arg8[%mul3A_20] : memref<320000xf32, #tpu.memory_space<hbm>> -> memref<10000xf32, #tpu.memory_space<hbm>>
      %dma_wait3A_22 = tpu.memref_slice %arg8[%mul3A_20] : memref<320000xf32, #tpu.memory_space<hbm>> -> memref<10000xf32, #tpu.memory_space<hbm>>
      tpu.wait_dma2 semaphore(%run_scoped3A : memref<!tpu.dma_semaphore, #tpu.memory_space<semaphore_mem>>) src(%arg15 : memref<10000xf32, #tpu.memory_space<vmem>>) dst(%dma_wait3A_22 : memref<10000xf32, #tpu.memory_space<hbm>>)
      tpu.yield
    }) : () -> ()
    return
  }
}

module attributes {stable_mosaic.version = 14 : i64} {
  func.func @_precompute_body(%arg0: i32, %arg1: memref<2000x128xf32, #tpu.memory_space<vmem>>, %arg2: memref<128x128xf32, #tpu.memory_space<vmem>>, %arg3: memref<128x128xf32, #tpu.memory_space<vmem>>, %arg4: memref<2000x128xbf16, #tpu.memory_space<vmem>>, %arg5: memref<2000x128xbf16, #tpu.memory_space<vmem>>) attributes {dimension_semantics = [#tpu.dimension_semantics<arbitrary>], iteration_bounds = array<i64: 5>, scalar_prefetch = 0 : i64, scratch_operands = 0 : i64, tpu.core_type = #tpu.core_type<tc>, window_params = [{transform_indices = @transform_0, window_bounds = array<i64: 2000, 128>}, {pipeline_mode = #tpu.pipeline_mode<synchronous>, transform_indices = @transform_1, window_bounds = array<i64: 128, 128>}, {pipeline_mode = #tpu.pipeline_mode<synchronous>, transform_indices = @transform_2, window_bounds = array<i64: 128, 128>}, {transform_indices = @transform_3, window_bounds = array<i64: 2000, 128>}, {transform_indices = @transform_4, window_bounds = array<i64: 2000, 128>}]} {
    %get3A = arith.constant 0 : index
    %get3A_0 = arith.constant 0 : index
    %get3A_1 = vector.load %arg1[%get3A, %get3A_0] : memref<2000x128xf32, #tpu.memory_space<vmem>>, vector<2000x128xf32>
    %get3A_2 = arith.constant 0 : index
    %get3A_3 = arith.constant 0 : index
    %get3A_4 = vector.load %arg2[%get3A_2, %get3A_3] : memref<128x128xf32, #tpu.memory_space<vmem>>, vector<128x128xf32>
    %dot_general3A = arith.constant dense<0.000000e+00> : vector<2000x128xf32>
    %dot_general3A_5 = tpu.matmul %get3A_1, %get3A_4, %dot_general3A {dimension_numbers = #tpu.dot_dimension_numbers<[1], [0], [0], [1], [0, 0, 1, 1], [], []>, transpose_lhs_hint = false} : vector<2000x128xf32>, vector<128x128xf32>, vector<2000x128xf32> -> vector<2000x128xf32>
    %convert_element_type3A = arith.truncf %dot_general3A_5 : vector<2000x128xf32> to vector<2000x128xbf16>
    %swap3A = arith.constant 0 : index
    %swap3A_6 = arith.constant 0 : index
    %swap3A_7 = vector.load %arg4[%swap3A, %swap3A_6] : memref<2000x128xbf16, #tpu.memory_space<vmem>>, vector<2000x128xbf16>
    tpu.vector_store %arg4[%swap3A, %swap3A_6], %convert_element_type3A {strides = array<i32>} : memref<2000x128xbf16, #tpu.memory_space<vmem>>, vector<2000x128xbf16>,
    %get3A_8 = arith.constant 0 : index
    %get3A_9 = arith.constant 0 : index
    %get3A_10 = vector.load %arg3[%get3A_8, %get3A_9] : memref<128x128xf32, #tpu.memory_space<vmem>>, vector<128x128xf32>
    %dot_general3A_11 = arith.constant dense<0.000000e+00> : vector<2000x128xf32>
    %dot_general3A_12 = tpu.matmul %get3A_1, %get3A_10, %dot_general3A_11 {dimension_numbers = #tpu.dot_dimension_numbers<[1], [0], [0], [1], [0, 0, 1, 1], [], []>, transpose_lhs_hint = false} : vector<2000x128xf32>, vector<128x128xf32>, vector<2000x128xf32> -> vector<2000x128xf32>
    %convert_element_type3A_13 = arith.truncf %dot_general3A_12 : vector<2000x128xf32> to vector<2000x128xbf16>
    %swap3A_14 = arith.constant 0 : index
    %swap3A_15 = arith.constant 0 : index
    %swap3A_16 = vector.load %arg5[%swap3A_14, %swap3A_15] : memref<2000x128xbf16, #tpu.memory_space<vmem>>, vector<2000x128xbf16>
    tpu.vector_store %arg5[%swap3A_14, %swap3A_15], %convert_element_type3A_13 {strides = array<i32>} : memref<2000x128xbf16, #tpu.memory_space<vmem>>, vector<2000x128xbf16>,
    return
  }
  func.func @transform_0(%arg0: i32) -> (i32, i32) {
    %c0_i32 = arith.constant 0 : i32
    %c0_i32_0 = arith.constant 0 : i32
    return %arg0, %c0_i32 : i32, i32
  }
  func.func @transform_1(%arg0: i32) -> (i32, i32) {
    %c0_i32 = arith.constant 0 : i32
    %c0_i32_0 = arith.constant 0 : i32
    %c0_i32_1 = arith.constant 0 : i32
    return %c0_i32, %c0_i32_0 : i32, i32
  }
  func.func @transform_2(%arg0: i32) -> (i32, i32) {
    %c0_i32 = arith.constant 0 : i32
    %c0_i32_0 = arith.constant 0 : i32
    %c0_i32_1 = arith.constant 0 : i32
    return %c0_i32, %c0_i32_0 : i32, i32
  }
  func.func @transform_3(%arg0: i32) -> (i32, i32) {
    %c0_i32 = arith.constant 0 : i32
    %c0_i32_0 = arith.constant 0 : i32
    return %arg0, %c0_i32 : i32, i32
  }
  func.func @transform_4(%arg0: i32) -> (i32, i32) {
    %c0_i32 = arith.constant 0 : i32
    %c0_i32_0 = arith.constant 0 : i32
    return %arg0, %c0_i32 : i32, i32
  }
}

module attributes {stable_mosaic.version = 14 : i64} {
  func.func @body(%arg0: i32, %arg1: memref<1280x128xf32, #tpu.memory_space<vmem>>, %arg2: memref<1280x1xf32, #tpu.memory_space<vmem>>, %arg3: memref<1280x1xf32, #tpu.memory_space<vmem>>, %arg4: memref<1x1280xf32, #tpu.memory_space<vmem>>, %arg5: memref<1x1280xf32, #tpu.memory_space<vmem>>, %arg6: memref<1x1280xf32, #tpu.memory_space<vmem>>, %arg7: memref<1x1280xf32, #tpu.memory_space<vmem>>, %arg8: memref<1x1280xf32, #tpu.memory_space<vmem>>, %arg9: memref<1x1280xf32, #tpu.memory_space<vmem>>, %arg10: memref<1x128xf32, #tpu.memory_space<vmem>>, %arg11: memref<1x128xf32, #tpu.memory_space<vmem>>, %arg12: memref<1x128xf32, #tpu.memory_space<vmem>>, %arg13: memref<1x128xf32, #tpu.memory_space<vmem>>, %arg14: memref<1x128xf32, #tpu.memory_space<vmem>>, %arg15: memref<1x128xf32, #tpu.memory_space<vmem>>, %arg16: memref<64x128xbf16, #tpu.memory_space<vmem>>, %arg17: memref<64x128xbf16, #tpu.memory_space<vmem>>, %arg18: memref<1x128xf32, #tpu.memory_space<vmem>>, %arg19: memref<1x128xbf16, #tpu.memory_space<vmem>>, %arg20: memref<1x1280xf32, #tpu.memory_space<vmem>>, %arg21: memref<1x1280xf32, #tpu.memory_space<vmem>>, %arg22: memref<1x1280xf32, #tpu.memory_space<vmem>>, %arg23: memref<1x1280xf32, #tpu.memory_space<vmem>>, %arg24: memref<1x1280xf32, #tpu.memory_space<vmem>>, %arg25: memref<1x1280xf32, #tpu.memory_space<vmem>>) attributes {dimension_semantics = [#tpu.dimension_semantics<arbitrary>], iteration_bounds = array<i64: 125>, scalar_prefetch = 0 : i64, scratch_operands = 0 : i64, tpu.core_type = #tpu.core_type<tc>, window_params = [{transform_indices = @transform_0, window_bounds = array<i64: 1280, 128>}, {transform_indices = @transform_1, window_bounds = array<i64: 1280, 1>}, {transform_indices = @transform_2, window_bounds = array<i64: 1280, 1>}, {transform_indices = @transform_3, window_bounds = array<i64: 1, 1280>}, {transform_indices = @transform_4, window_bounds = array<i64: 1, 1280>}, {transform_indices = @transform_5, window_bounds = array<i64: 1, 1280>}, {transform_indices = @transform_6, window_bounds = array<i64: 1, 1280>}, {transform_indices = @transform_7, window_bounds = array<i64: 1, 1280>}, {transform_indices = @transform_8, window_bounds = array<i64: 1, 1280>}, {pipeline_mode = #tpu.pipeline_mode<synchronous>, transform_indices = @transform_9, window_bounds = array<i64: 1, 128>}, {pipeline_mode = #tpu.pipeline_mode<synchronous>, transform_indices = @transform_10, window_bounds = array<i64: 1, 128>}, {pipeline_mode = #tpu.pipeline_mode<synchronous>, transform_indices = @transform_11, window_bounds = array<i64: 1, 128>}, {pipeline_mode = #tpu.pipeline_mode<synchronous>, transform_indices = @transform_12, window_bounds = array<i64: 1, 128>}, {pipeline_mode = #tpu.pipeline_mode<synchronous>, transform_indices = @transform_13, window_bounds = array<i64: 1, 128>}, {pipeline_mode = #tpu.pipeline_mode<synchronous>, transform_indices = @transform_14, window_bounds = array<i64: 1, 128>}, {pipeline_mode = #tpu.pipeline_mode<synchronous>, transform_indices = @transform_15, window_bounds = array<i64: 64, 128>}, {pipeline_mode = #tpu.pipeline_mode<synchronous>, transform_indices = @transform_16, window_bounds = array<i64: 64, 128>}, {pipeline_mode = #tpu.pipeline_mode<synchronous>, transform_indices = @transform_17, window_bounds = array<i64: 1, 128>}, {pipeline_mode = #tpu.pipeline_mode<synchronous>, transform_indices = @transform_18, window_bounds = array<i64: 1, 128>}, {transform_indices = @transform_19, window_bounds = array<i64: 1, 1280>}, {transform_indices = @transform_20, window_bounds = array<i64: 1, 1280>}, {transform_indices = @transform_21, window_bounds = array<i64: 1, 1280>}, {transform_indices = @transform_22, window_bounds = array<i64: 1, 1280>}, {transform_indices = @transform_23, window_bounds = array<i64: 1, 1280>}, {transform_indices = @transform_24, window_bounds = array<i64: 1, 1280>}]} {
    %get3A = arith.constant 0 : index
    %get3A_0 = arith.constant 0 : index
    %get3A_1 = vector.load %arg1[%get3A, %get3A_0] : memref<1280x128xf32, #tpu.memory_space<vmem>>, vector<1280x128xf32>
    %bitcast_convert_type3A = tpu.bitcast %get3A_1 : vector<1280x128xf32> -> vector<1280x128xi32>
    %shift_left3A = arith.constant 16 : i32
    %shift_left3A_2 = vector.broadcast %shift_left3A : i32 to vector<1280x128xi32>
    %shift_left3A_3 = arith.shli %bitcast_convert_type3A, %shift_left3A_2 : vector<1280x128xi32>
    %bitcast_convert_type3A_4 = tpu.bitcast %shift_left3A_3 : vector<1280x128xi32> -> vector<1280x128xf32>
    %and3A = arith.constant -65536 : i32
    %and3A_5 = vector.broadcast %and3A : i32 to vector<1280x128xi32>
    %and3A_6 = arith.andi %bitcast_convert_type3A, %and3A_5 : vector<1280x128xi32>
    %bitcast_convert_type3A_7 = tpu.bitcast %and3A_6 : vector<1280x128xi32> -> vector<1280x128xf32>
    %get3A_8 = arith.constant 0 : index
    %get3A_9 = arith.constant 0 : index
    %get3A_10 = vector.load %arg2[%get3A_8, %get3A_9] : memref<1280x1xf32, #tpu.memory_space<vmem>>, vector<1280x1xf32>
    %get3A_11 = arith.constant 0 : index
    %get3A_12 = arith.constant 0 : index
    %get3A_13 = vector.load %arg3[%get3A_11, %get3A_12] : memref<1280x1xf32, #tpu.memory_space<vmem>>, vector<1280x1xf32>
    %get3A_14 = arith.constant 0 : index
    %get3A_15 = arith.constant 0 : index
    %get3A_16 = vector.load %arg10[%get3A_14, %get3A_15] : memref<1x128xf32, #tpu.memory_space<vmem>>, vector<1x128xf32>
    %mul3A = vector.broadcast %get3A_10 : vector<1280x1xf32> to vector<1280x128xf32>
    %mul3A_17 = vector.broadcast %get3A_16 : vector<1x128xf32> to vector<1280x128xf32>
    %mul3A_18 = arith.mulf %mul3A, %mul3A_17 : vector<1280x128xf32>
    %add3A = arith.addf %bitcast_convert_type3A_4, %mul3A_18 : vector<1280x128xf32>
    %get3A_19 = arith.constant 0 : index
    %get3A_20 = arith.constant 0 : index
    %get3A_21 = vector.load %arg11[%get3A_19, %get3A_20] : memref<1x128xf32, #tpu.memory_space<vmem>>, vector<1x128xf32>
    %mul3A_22 = vector.broadcast %get3A_13 : vector<1280x1xf32> to vector<1280x128xf32>
    %mul3A_23 = vector.broadcast %get3A_21 : vector<1x128xf32> to vector<1280x128xf32>
    %mul3A_24 = arith.mulf %mul3A_22, %mul3A_23 : vector<1280x128xf32>
    %add3A_25 = arith.addf %add3A, %mul3A_24 : vector<1280x128xf32>
    %get3A_26 = arith.constant 0 : index
    %get3A_27 = arith.constant 0 : index
    %get3A_28 = vector.load %arg14[%get3A_26, %get3A_27] : memref<1x128xf32, #tpu.memory_space<vmem>>, vector<1x128xf32>
    %add3A_29 = vector.broadcast %get3A_28 : vector<1x128xf32> to vector<1280x128xf32>
    %add3A_30 = arith.addf %add3A_25, %add3A_29 : vector<1280x128xf32>
    %get3A_31 = arith.constant 0 : index
    %get3A_32 = arith.constant 0 : index
    %get3A_33 = vector.load %arg12[%get3A_31, %get3A_32] : memref<1x128xf32, #tpu.memory_space<vmem>>, vector<1x128xf32>
    %mul3A_34 = vector.broadcast %get3A_10 : vector<1280x1xf32> to vector<1280x128xf32>
    %mul3A_35 = vector.broadcast %get3A_33 : vector<1x128xf32> to vector<1280x128xf32>
    %mul3A_36 = arith.mulf %mul3A_34, %mul3A_35 : vector<1280x128xf32>
    %add3A_37 = arith.addf %bitcast_convert_type3A_7, %mul3A_36 : vector<1280x128xf32>
    %get3A_38 = arith.constant 0 : index
    %get3A_39 = arith.constant 0 : index
    %get3A_40 = vector.load %arg13[%get3A_38, %get3A_39] : memref<1x128xf32, #tpu.memory_space<vmem>>, vector<1x128xf32>
    %mul3A_41 = vector.broadcast %get3A_13 : vector<1280x1xf32> to vector<1280x128xf32>
    %mul3A_42 = vector.broadcast %get3A_40 : vector<1x128xf32> to vector<1280x128xf32>
    %mul3A_43 = arith.mulf %mul3A_41, %mul3A_42 : vector<1280x128xf32>
    %add3A_44 = arith.addf %add3A_37, %mul3A_43 : vector<1280x128xf32>
    %get3A_45 = arith.constant 0 : index
    %get3A_46 = arith.constant 0 : index
    %get3A_47 = vector.load %arg15[%get3A_45, %get3A_46] : memref<1x128xf32, #tpu.memory_space<vmem>>, vector<1x128xf32>
    %add3A_48 = vector.broadcast %get3A_47 : vector<1x128xf32> to vector<1280x128xf32>
    %add3A_49 = arith.addf %add3A_44, %add3A_48 : vector<1280x128xf32>
    %logistic3A = arith.negf %add3A_30 : vector<1280x128xf32>
    %logistic3A_50 = math.exp %logistic3A : vector<1280x128xf32>
    %logistic3A_51 = arith.constant 1.000000e+00 : f32
    %logistic3A_52 = vector.broadcast %logistic3A_51 : f32 to vector<1280x128xf32>
    %logistic3A_53 = arith.addf %logistic3A_52, %logistic3A_50 : vector<1280x128xf32>
    %logistic3A_54 = arith.divf %logistic3A_52, %logistic3A_53 : vector<1280x128xf32>
    %mul3A_55 = arith.mulf %add3A_30, %logistic3A_54 : vector<1280x128xf32>
    %logistic3A_56 = arith.negf %add3A_49 : vector<1280x128xf32>
    %logistic3A_57 = math.exp %logistic3A_56 : vector<1280x128xf32>
    %logistic3A_58 = arith.constant 1.000000e+00 : f32
    %logistic3A_59 = vector.broadcast %logistic3A_58 : f32 to vector<1280x128xf32>
    %logistic3A_60 = arith.addf %logistic3A_59, %logistic3A_57 : vector<1280x128xf32>
    %logistic3A_61 = arith.divf %logistic3A_59, %logistic3A_60 : vector<1280x128xf32>
    %mul3A_62 = arith.mulf %add3A_49, %logistic3A_61 : vector<1280x128xf32>
    %get3A_63 = arith.constant 0 : index
    %get3A_64 = arith.constant 0 : index
    %get3A_65 = vector.load %arg16[%get3A_63, %get3A_64] : memref<64x128xbf16, #tpu.memory_space<vmem>>, vector<64x128xbf16>
    %get3A_66 = arith.constant 0 : index
    %get3A_67 = arith.constant 0 : index
    %get3A_68 = vector.load %arg17[%get3A_66, %get3A_67] : memref<64x128xbf16, #tpu.memory_space<vmem>>, vector<64x128xbf16>
    %get3A_69 = arith.constant 0 : index
    %get3A_70 = arith.constant 0 : index
    %get3A_71 = vector.load %arg18[%get3A_69, %get3A_70] : memref<1x128xf32, #tpu.memory_space<vmem>>, vector<1x128xf32>
    %get3A_72 = arith.constant 0 : index
    %get3A_73 = arith.constant 0 : index
    %get3A_74 = vector.load %arg19[%get3A_72, %get3A_73] : memref<1x128xbf16, #tpu.memory_space<vmem>>, vector<1x128xbf16>
    %slice3A = vector.extract_strided_slice %mul3A_55 {offsets = [0, 0], sizes = [1280, 64], strides = [1, 1]} : vector<1280x128xf32> to vector<1280x64xf32>
    %convert_element_type3A = arith.truncf %slice3A : vector<1280x64xf32> to vector<1280x64xbf16>
    %dot_general3A = arith.constant dense<0.000000e+00> : vector<1280x128xf32>
    %dot_general3A_75 = tpu.matmul %convert_element_type3A, %get3A_65, %dot_general3A {dimension_numbers = #tpu.dot_dimension_numbers<[1], [0], [0], [1], [0, 0, 1, 1], [], []>, transpose_lhs_hint = false} : vector<1280x64xbf16>, vector<64x128xbf16>, vector<1280x128xf32> -> vector<1280x128xf32>
    %slice3A_76 = vector.extract_strided_slice %mul3A_62 {offsets = [0, 0], sizes = [1280, 64], strides = [1, 1]} : vector<1280x128xf32> to vector<1280x64xf32>
    %convert_element_type3A_77 = arith.truncf %slice3A_76 : vector<1280x64xf32> to vector<1280x64xbf16>
    %dot_general3A_78 = arith.constant dense<0.000000e+00> : vector<1280x128xf32>
    %dot_general3A_79 = tpu.matmul %convert_element_type3A_77, %get3A_68, %dot_general3A_78 {dimension_numbers = #tpu.dot_dimension_numbers<[1], [0], [0], [1], [0, 0, 1, 1], [], []>, transpose_lhs_hint = false} : vector<1280x64xbf16>, vector<64x128xbf16>, vector<1280x128xf32> -> vector<1280x128xf32>
    %add3A_80 = arith.addf %dot_general3A_75, %dot_general3A_79 : vector<1280x128xf32>
    %add3A_81 = vector.broadcast %get3A_71 : vector<1x128xf32> to vector<1280x128xf32>
    %add3A_82 = arith.addf %add3A_80, %add3A_81 : vector<1280x128xf32>
    %logistic3A_83 = arith.negf %add3A_82 : vector<1280x128xf32>
    %logistic3A_84 = math.exp %logistic3A_83 : vector<1280x128xf32>
    %logistic3A_85 = arith.constant 1.000000e+00 : f32
    %logistic3A_86 = vector.broadcast %logistic3A_85 : f32 to vector<1280x128xf32>
    %logistic3A_87 = arith.addf %logistic3A_86, %logistic3A_84 : vector<1280x128xf32>
    %logistic3A_88 = arith.divf %logistic3A_86, %logistic3A_87 : vector<1280x128xf32>
    %mul3A_89 = arith.mulf %add3A_82, %logistic3A_88 : vector<1280x128xf32>
    %convert_element_type3A_90 = arith.truncf %mul3A_89 : vector<1280x128xf32> to vector<1280x128xbf16>
    %dot_general3A_91 = arith.constant dense<0.000000e+00> : vector<1x1280xf32>
    %dot_general3A_92 = tpu.matmul %get3A_74, %convert_element_type3A_90, %dot_general3A_91 {dimension_numbers = #tpu.dot_dimension_numbers<[1], [1], [0], [0], [0, 0, 1, 0], [], []>, transpose_lhs_hint = false} : vector<1x128xbf16>, vector<1280x128xbf16>, vector<1x1280xf32> -> vector<1x1280xf32>
    %slice3A_93 = vector.extract_strided_slice %mul3A_55 {offsets = [0, 64], sizes = [1280, 64], strides = [1, 1]} : vector<1280x128xf32> to vector<1280x64xf32>
    %convert_element_type3A_94 = arith.truncf %slice3A_93 : vector<1280x64xf32> to vector<1280x64xbf16>
    %dot_general3A_95 = arith.constant dense<0.000000e+00> : vector<1280x128xf32>
    %dot_general3A_96 = tpu.matmul %convert_element_type3A_94, %get3A_65, %dot_general3A_95 {dimension_numbers = #tpu.dot_dimension_numbers<[1], [0], [0], [1], [0, 0, 1, 1], [], []>, transpose_lhs_hint = false} : vector<1280x64xbf16>, vector<64x128xbf16>, vector<1280x128xf32> -> vector<1280x128xf32>
    %slice3A_97 = vector.extract_strided_slice %mul3A_62 {offsets = [0, 64], sizes = [1280, 64], strides = [1, 1]} : vector<1280x128xf32> to vector<1280x64xf32>
    %convert_element_type3A_98 = arith.truncf %slice3A_97 : vector<1280x64xf32> to vector<1280x64xbf16>
    %dot_general3A_99 = arith.constant dense<0.000000e+00> : vector<1280x128xf32>
    %dot_general3A_100 = tpu.matmul %convert_element_type3A_98, %get3A_68, %dot_general3A_99 {dimension_numbers = #tpu.dot_dimension_numbers<[1], [0], [0], [1], [0, 0, 1, 1], [], []>, transpose_lhs_hint = false} : vector<1280x64xbf16>, vector<64x128xbf16>, vector<1280x128xf32> -> vector<1280x128xf32>
    %add3A_101 = arith.addf %dot_general3A_96, %dot_general3A_100 : vector<1280x128xf32>
    %add3A_102 = vector.broadcast %get3A_71 : vector<1x128xf32> to vector<1280x128xf32>
    %add3A_103 = arith.addf %add3A_101, %add3A_102 : vector<1280x128xf32>
    %logistic3A_104 = arith.negf %add3A_103 : vector<1280x128xf32>
    %logistic3A_105 = math.exp %logistic3A_104 : vector<1280x128xf32>
    %logistic3A_106 = arith.constant 1.000000e+00 : f32
    %logistic3A_107 = vector.broadcast %logistic3A_106 : f32 to vector<1280x128xf32>
    %logistic3A_108 = arith.addf %logistic3A_107, %logistic3A_105 : vector<1280x128xf32>
    %logistic3A_109 = arith.divf %logistic3A_107, %logistic3A_108 : vector<1280x128xf32>
    %mul3A_110 = arith.mulf %add3A_103, %logistic3A_109 : vector<1280x128xf32>
    %convert_element_type3A_111 = arith.truncf %mul3A_110 : vector<1280x128xf32> to vector<1280x128xbf16>
    %dot_general3A_112 = arith.constant dense<0.000000e+00> : vector<1x1280xf32>
    %dot_general3A_113 = tpu.matmul %get3A_74, %convert_element_type3A_111, %dot_general3A_112 {dimension_numbers = #tpu.dot_dimension_numbers<[1], [1], [0], [0], [0, 0, 1, 0], [], []>, transpose_lhs_hint = false} : vector<1x128xbf16>, vector<1280x128xbf16>, vector<1x1280xf32> -> vector<1x1280xf32>
    %get3A_114 = arith.constant 0 : index
    %get3A_115 = arith.constant 0 : index
    %get3A_116 = vector.load %arg4[%get3A_114, %get3A_115] : memref<1x1280xf32, #tpu.memory_space<vmem>>, vector<1x1280xf32>
    %mul3A_117 = arith.mulf %get3A_116, %dot_general3A_92 : vector<1x1280xf32>
    %swap3A = arith.constant 0 : index
    %swap3A_118 = arith.constant 0 : index
    %swap3A_119 = vector.load %arg20[%swap3A, %swap3A_118] : memref<1x1280xf32, #tpu.memory_space<vmem>>, vector<1x1280xf32>
    tpu.vector_store %arg20[%swap3A, %swap3A_118], %mul3A_117 {strides = array<i32>} : memref<1x1280xf32, #tpu.memory_space<vmem>>, vector<1x1280xf32>,
    %get3A_120 = arith.constant 0 : index
    %get3A_121 = arith.constant 0 : index
    %get3A_122 = vector.load %arg5[%get3A_120, %get3A_121] : memref<1x1280xf32, #tpu.memory_space<vmem>>, vector<1x1280xf32>
    %mul3A_123 = arith.mulf %get3A_122, %dot_general3A_92 : vector<1x1280xf32>
    %swap3A_124 = arith.constant 0 : index
    %swap3A_125 = arith.constant 0 : index
    %swap3A_126 = vector.load %arg21[%swap3A_124, %swap3A_125] : memref<1x1280xf32, #tpu.memory_space<vmem>>, vector<1x1280xf32>
    tpu.vector_store %arg21[%swap3A_124, %swap3A_125], %mul3A_123 {strides = array<i32>} : memref<1x1280xf32, #tpu.memory_space<vmem>>, vector<1x1280xf32>,
    %get3A_127 = arith.constant 0 : index
    %get3A_128 = arith.constant 0 : index
    %get3A_129 = vector.load %arg6[%get3A_127, %get3A_128] : memref<1x1280xf32, #tpu.memory_space<vmem>>, vector<1x1280xf32>
    %mul3A_130 = arith.mulf %get3A_129, %dot_general3A_92 : vector<1x1280xf32>
    %swap3A_131 = arith.constant 0 : index
    %swap3A_132 = arith.constant 0 : index
    %swap3A_133 = vector.load %arg22[%swap3A_131, %swap3A_132] : memref<1x1280xf32, #tpu.memory_space<vmem>>, vector<1x1280xf32>
    tpu.vector_store %arg22[%swap3A_131, %swap3A_132], %mul3A_130 {strides = array<i32>} : memref<1x1280xf32, #tpu.memory_space<vmem>>, vector<1x1280xf32>,
    %get3A_134 = arith.constant 0 : index
    %get3A_135 = arith.constant 0 : index
    %get3A_136 = vector.load %arg7[%get3A_134, %get3A_135] : memref<1x1280xf32, #tpu.memory_space<vmem>>, vector<1x1280xf32>
    %mul3A_137 = arith.mulf %get3A_136, %dot_general3A_113 : vector<1x1280xf32>
    %swap3A_138 = arith.constant 0 : index
    %swap3A_139 = arith.constant 0 : index
    %swap3A_140 = vector.load %arg23[%swap3A_138, %swap3A_139] : memref<1x1280xf32, #tpu.memory_space<vmem>>, vector<1x1280xf32>
    tpu.vector_store %arg23[%swap3A_138, %swap3A_139], %mul3A_137 {strides = array<i32>} : memref<1x1280xf32, #tpu.memory_space<vmem>>, vector<1x1280xf32>,
    %get3A_141 = arith.constant 0 : index
    %get3A_142 = arith.constant 0 : index
    %get3A_143 = vector.load %arg8[%get3A_141, %get3A_142] : memref<1x1280xf32, #tpu.memory_space<vmem>>, vector<1x1280xf32>
    %mul3A_144 = arith.mulf %get3A_143, %dot_general3A_113 : vector<1x1280xf32>
    %swap3A_145 = arith.constant 0 : index
    %swap3A_146 = arith.constant 0 : index
    %swap3A_147 = vector.load %arg24[%swap3A_145, %swap3A_146] : memref<1x1280xf32, #tpu.memory_space<vmem>>, vector<1x1280xf32>
    tpu.vector_store %arg24[%swap3A_145, %swap3A_146], %mul3A_144 {strides = array<i32>} : memref<1x1280xf32, #tpu.memory_space<vmem>>, vector<1x1280xf32>,
    %get3A_148 = arith.constant 0 : index
    %get3A_149 = arith.constant 0 : index
    %get3A_150 = vector.load %arg9[%get3A_148, %get3A_149] : memref<1x1280xf32, #tpu.memory_space<vmem>>, vector<1x1280xf32>
    %mul3A_151 = arith.mulf %get3A_150, %dot_general3A_113 : vector<1x1280xf32>
    %swap3A_152 = arith.constant 0 : index
    %swap3A_153 = arith.constant 0 : index
    %swap3A_154 = vector.load %arg25[%swap3A_152, %swap3A_153] : memref<1x1280xf32, #tpu.memory_space<vmem>>, vector<1x1280xf32>
    tpu.vector_store %arg25[%swap3A_152, %swap3A_153], %mul3A_151 {strides = array<i32>} : memref<1x1280xf32, #tpu.memory_space<vmem>>, vector<1x1280xf32>,
    return
  }
  func.func @transform_0(%arg0: i32) -> (i32, i32) {
    %c0_i32 = arith.constant 0 : i32
    %c0_i32_0 = arith.constant 0 : i32
    return %arg0, %c0_i32 : i32, i32
  }
  func.func @transform_1(%arg0: i32) -> (i32, i32) {
    %c0_i32 = arith.constant 0 : i32
    %c0_i32_0 = arith.constant 0 : i32
    return %arg0, %c0_i32 : i32, i32
  }
  func.func @transform_2(%arg0: i32) -> (i32, i32) {
    %c0_i32 = arith.constant 0 : i32
    %c0_i32_0 = arith.constant 0 : i32
    return %arg0, %c0_i32 : i32, i32
  }
  func.func @transform_3(%arg0: i32) -> (i32, i32) {
    %c0_i32 = arith.constant 0 : i32
    %c0_i32_0 = arith.constant 0 : i32
    return %c0_i32, %arg0 : i32, i32
  }
  func.func @transform_4(%arg0: i32) -> (i32, i32) {
    %c0_i32 = arith.constant 0 : i32
    %c0_i32_0 = arith.constant 0 : i32
    return %c0_i32, %arg0 : i32, i32
  }
  func.func @transform_5(%arg0: i32) -> (i32, i32) {
    %c0_i32 = arith.constant 0 : i32
    %c0_i32_0 = arith.constant 0 : i32
    return %c0_i32, %arg0 : i32, i32
  }
  func.func @transform_6(%arg0: i32) -> (i32, i32) {
    %c0_i32 = arith.constant 0 : i32
    %c0_i32_0 = arith.constant 0 : i32
    return %c0_i32, %arg0 : i32, i32
  }
  func.func @transform_7(%arg0: i32) -> (i32, i32) {
    %c0_i32 = arith.constant 0 : i32
    %c0_i32_0 = arith.constant 0 : i32
    return %c0_i32, %arg0 : i32, i32
  }
  func.func @transform_8(%arg0: i32) -> (i32, i32) {
    %c0_i32 = arith.constant 0 : i32
    %c0_i32_0 = arith.constant 0 : i32
    return %c0_i32, %arg0 : i32, i32
  }
  func.func @transform_9(%arg0: i32) -> (i32, i32) {
    %c0_i32 = arith.constant 0 : i32
    %c0_i32_0 = arith.constant 0 : i32
    %c0_i32_1 = arith.constant 0 : i32
    return %c0_i32, %c0_i32_0 : i32, i32
  }
  func.func @transform_10(%arg0: i32) -> (i32, i32) {
    %c0_i32 = arith.constant 0 : i32
    %c0_i32_0 = arith.constant 0 : i32
    %c0_i32_1 = arith.constant 0 : i32
    return %c0_i32, %c0_i32_0 : i32, i32
  }
  func.func @transform_11(%arg0: i32) -> (i32, i32) {
    %c0_i32 = arith.constant 0 : i32
    %c0_i32_0 = arith.constant 0 : i32
    %c0_i32_1 = arith.constant 0 : i32
    return %c0_i32, %c0_i32_0 : i32, i32
  }
  func.func @transform_12(%arg0: i32) -> (i32, i32) {
    %c0_i32 = arith.constant 0 : i32
    %c0_i32_0 = arith.constant 0 : i32
    %c0_i32_1 = arith.constant 0 : i32
    return %c0_i32, %c0_i32_0 : i32, i32
  }
  func.func @transform_13(%arg0: i32) -> (i32, i32) {
    %c0_i32 = arith.constant 0 : i32
    %c0_i32_0 = arith.constant 0 : i32
    %c0_i32_1 = arith.constant 0 : i32
    return %c0_i32, %c0_i32_0 : i32, i32
  }
  func.func @transform_14(%arg0: i32) -> (i32, i32) {
    %c0_i32 = arith.constant 0 : i32
    %c0_i32_0 = arith.constant 0 : i32
    %c0_i32_1 = arith.constant 0 : i32
    return %c0_i32, %c0_i32_0 : i32, i32
  }
  func.func @transform_15(%arg0: i32) -> (i32, i32) {
    %c0_i32 = arith.constant 0 : i32
    %c0_i32_0 = arith.constant 0 : i32
    %c0_i32_1 = arith.constant 0 : i32
    return %c0_i32, %c0_i32_0 : i32, i32
  }
  func.func @transform_16(%arg0: i32) -> (i32, i32) {
    %c0_i32 = arith.constant 0 : i32
    %c0_i32_0 = arith.constant 0 : i32
    %c0_i32_1 = arith.constant 0 : i32
    return %c0_i32, %c0_i32_0 : i32, i32
  }
  func.func @transform_17(%arg0: i32) -> (i32, i32) {
    %c0_i32 = arith.constant 0 : i32
    %c0_i32_0 = arith.constant 0 : i32
    %c0_i32_1 = arith.constant 0 : i32
    return %c0_i32, %c0_i32_0 : i32, i32
  }
  func.func @transform_18(%arg0: i32) -> (i32, i32) {
    %c0_i32 = arith.constant 0 : i32
    %c0_i32_0 = arith.constant 0 : i32
    %c0_i32_1 = arith.constant 0 : i32
    return %c0_i32, %c0_i32_0 : i32, i32
  }
  func.func @transform_19(%arg0: i32) -> (i32, i32) {
    %c0_i32 = arith.constant 0 : i32
    %c0_i32_0 = arith.constant 0 : i32
    return %c0_i32, %arg0 : i32, i32
  }
  func.func @transform_20(%arg0: i32) -> (i32, i32) {
    %c0_i32 = arith.constant 0 : i32
    %c0_i32_0 = arith.constant 0 : i32
    return %c0_i32, %arg0 : i32, i32
  }
  func.func @transform_21(%arg0: i32) -> (i32, i32) {
    %c0_i32 = arith.constant 0 : i32
    %c0_i32_0 = arith.constant 0 : i32
    return %c0_i32, %arg0 : i32, i32
  }
  func.func @transform_22(%arg0: i32) -> (i32, i32) {
    %c0_i32 = arith.constant 0 : i32
    %c0_i32_0 = arith.constant 0 : i32
    return %c0_i32, %arg0 : i32, i32
  }
  func.func @transform_23(%arg0: i32) -> (i32, i32) {
    %c0_i32 = arith.constant 0 : i32
    %c0_i32_0 = arith.constant 0 : i32
    return %c0_i32, %arg0 : i32, i32
  }
  func.func @transform_24(%arg0: i32) -> (i32, i32) {
    %c0_i32 = arith.constant 0 : i32
    %c0_i32_0 = arith.constant 0 : i32
    return %c0_i32, %arg0 : i32, i32
  }
}

module attributes {stable_mosaic.version = 14 : i64} {
  func.func @_combine_body(%arg0: i32, %arg1: memref<32x10000xf32, #tpu.memory_space<vmem>>, %arg2: memref<32x10000xf32, #tpu.memory_space<vmem>>, %arg3: memref<32x10000xf32, #tpu.memory_space<vmem>>, %arg4: memref<1x10000xf32, #tpu.memory_space<vmem>>, %arg5: memref<1x10000xf32, #tpu.memory_space<vmem>>, %arg6: memref<1x10000xf32, #tpu.memory_space<vmem>>, %arg7: memref<1x10000xf32, #tpu.memory_space<vmem>>, %arg8: memref<1x10000xf32, #tpu.memory_space<vmem>>, %arg9: memref<1x10000xf32, #tpu.memory_space<vmem>>) attributes {dimension_semantics = [#tpu.dimension_semantics<arbitrary>], iteration_bounds = array<i64: 1>, scalar_prefetch = 0 : i64, scratch_operands = 0 : i64, tpu.core_type = #tpu.core_type<tc>, window_params = [{pipeline_mode = #tpu.pipeline_mode<synchronous>, transform_indices = @transform_0, window_bounds = array<i64: 32, 10000>}, {pipeline_mode = #tpu.pipeline_mode<synchronous>, transform_indices = @transform_1, window_bounds = array<i64: 32, 10000>}, {pipeline_mode = #tpu.pipeline_mode<synchronous>, transform_indices = @transform_2, window_bounds = array<i64: 32, 10000>}, {pipeline_mode = #tpu.pipeline_mode<synchronous>, transform_indices = @transform_3, window_bounds = array<i64: 1, 10000>}, {pipeline_mode = #tpu.pipeline_mode<synchronous>, transform_indices = @transform_4, window_bounds = array<i64: 1, 10000>}, {pipeline_mode = #tpu.pipeline_mode<synchronous>, transform_indices = @transform_5, window_bounds = array<i64: 1, 10000>}, {pipeline_mode = #tpu.pipeline_mode<synchronous>, transform_indices = @transform_6, window_bounds = array<i64: 1, 10000>}, {pipeline_mode = #tpu.pipeline_mode<synchronous>, transform_indices = @transform_7, window_bounds = array<i64: 1, 10000>}, {pipeline_mode = #tpu.pipeline_mode<synchronous>, transform_indices = @transform_8, window_bounds = array<i64: 1, 10000>}]} {
    %get3A = arith.constant 0 : index
    %get3A_0 = arith.constant 0 : index
    %get3A_1 = vector.load %arg4[%get3A, %get3A_0] : memref<1x10000xf32, #tpu.memory_space<vmem>>, vector<1x10000xf32>
    %get3A_2 = arith.constant 0 : index
    %get3A_3 = arith.constant 0 : index
    %get3A_4 = vector.load %arg1[%get3A_2, %get3A_3] : memref<32x10000xf32, #tpu.memory_space<vmem>>, vector<32x10000xf32>
    %reduce_sum3A = arith.constant dense<0.000000e+00> : vector<10000xf32>
    %reduce_sum3A_5 = vector.multi_reduction <add>, %get3A_4, %reduce_sum3A [0] : vector<32x10000xf32> to vector<10000xf32>
    %broadcast_in_dim3A = vector.shape_cast %reduce_sum3A_5 : vector<10000xf32> to vector<1x10000xf32>
    %mul3A = arith.constant 0.00999999977 : f32
    %mul3A_6 = vector.broadcast %mul3A : f32 to vector<1x10000xf32>
    %mul3A_7 = arith.mulf %broadcast_in_dim3A, %mul3A_6 : vector<1x10000xf32>
    %add3A = arith.addf %get3A_1, %mul3A_7 : vector<1x10000xf32>
    %swap3A = arith.constant 0 : index
    %swap3A_8 = arith.constant 0 : index
    %swap3A_9 = vector.load %arg7[%swap3A, %swap3A_8] : memref<1x10000xf32, #tpu.memory_space<vmem>>, vector<1x10000xf32>
    tpu.vector_store %arg7[%swap3A, %swap3A_8], %add3A {strides = array<i32>} : memref<1x10000xf32, #tpu.memory_space<vmem>>, vector<1x10000xf32>,
    %get3A_10 = arith.constant 0 : index
    %get3A_11 = arith.constant 0 : index
    %get3A_12 = vector.load %arg5[%get3A_10, %get3A_11] : memref<1x10000xf32, #tpu.memory_space<vmem>>, vector<1x10000xf32>
    %get3A_13 = arith.constant 0 : index
    %get3A_14 = arith.constant 0 : index
    %get3A_15 = vector.load %arg2[%get3A_13, %get3A_14] : memref<32x10000xf32, #tpu.memory_space<vmem>>, vector<32x10000xf32>
    %reduce_sum3A_16 = arith.constant dense<0.000000e+00> : vector<10000xf32>
    %reduce_sum3A_17 = vector.multi_reduction <add>, %get3A_15, %reduce_sum3A_16 [0] : vector<32x10000xf32> to vector<10000xf32>
    %broadcast_in_dim3A_18 = vector.shape_cast %reduce_sum3A_17 : vector<10000xf32> to vector<1x10000xf32>
    %mul3A_19 = arith.constant 0.00999999977 : f32
    %mul3A_20 = vector.broadcast %mul3A_19 : f32 to vector<1x10000xf32>
    %mul3A_21 = arith.mulf %broadcast_in_dim3A_18, %mul3A_20 : vector<1x10000xf32>
    %add3A_22 = arith.addf %get3A_12, %mul3A_21 : vector<1x10000xf32>
    %swap3A_23 = arith.constant 0 : index
    %swap3A_24 = arith.constant 0 : index
    %swap3A_25 = vector.load %arg8[%swap3A_23, %swap3A_24] : memref<1x10000xf32, #tpu.memory_space<vmem>>, vector<1x10000xf32>
    tpu.vector_store %arg8[%swap3A_23, %swap3A_24], %add3A_22 {strides = array<i32>} : memref<1x10000xf32, #tpu.memory_space<vmem>>, vector<1x10000xf32>,
    %get3A_26 = arith.constant 0 : index
    %get3A_27 = arith.constant 0 : index
    %get3A_28 = vector.load %arg6[%get3A_26, %get3A_27] : memref<1x10000xf32, #tpu.memory_space<vmem>>, vector<1x10000xf32>
    %get3A_29 = arith.constant 0 : index
    %get3A_30 = arith.constant 0 : index
    %get3A_31 = vector.load %arg3[%get3A_29, %get3A_30] : memref<32x10000xf32, #tpu.memory_space<vmem>>, vector<32x10000xf32>
    %reduce_sum3A_32 = arith.constant dense<0.000000e+00> : vector<10000xf32>
    %reduce_sum3A_33 = vector.multi_reduction <add>, %get3A_31, %reduce_sum3A_32 [0] : vector<32x10000xf32> to vector<10000xf32>
    %broadcast_in_dim3A_34 = vector.shape_cast %reduce_sum3A_33 : vector<10000xf32> to vector<1x10000xf32>
    %mul3A_35 = arith.constant 0.00999999977 : f32
    %mul3A_36 = vector.broadcast %mul3A_35 : f32 to vector<1x10000xf32>
    %mul3A_37 = arith.mulf %broadcast_in_dim3A_34, %mul3A_36 : vector<1x10000xf32>
    %add3A_38 = arith.addf %get3A_28, %mul3A_37 : vector<1x10000xf32>
    %swap3A_39 = arith.constant 0 : index
    %swap3A_40 = arith.constant 0 : index
    %swap3A_41 = vector.load %arg9[%swap3A_39, %swap3A_40] : memref<1x10000xf32, #tpu.memory_space<vmem>>, vector<1x10000xf32>
    tpu.vector_store %arg9[%swap3A_39, %swap3A_40], %add3A_38 {strides = array<i32>} : memref<1x10000xf32, #tpu.memory_space<vmem>>, vector<1x10000xf32>,
    return
  }
  func.func @transform_0(%arg0: i32) -> (i32, i32) {
    %c0_i32 = arith.constant 0 : i32
    %c0_i32_0 = arith.constant 0 : i32
    %c0_i32_1 = arith.constant 0 : i32
    return %c0_i32, %c0_i32_0 : i32, i32
  }
  func.func @transform_1(%arg0: i32) -> (i32, i32) {
    %c0_i32 = arith.constant 0 : i32
    %c0_i32_0 = arith.constant 0 : i32
    %c0_i32_1 = arith.constant 0 : i32
    return %c0_i32, %c0_i32_0 : i32, i32
  }
  func.func @transform_2(%arg0: i32) -> (i32, i32) {
    %c0_i32 = arith.constant 0 : i32
    %c0_i32_0 = arith.constant 0 : i32
    %c0_i32_1 = arith.constant 0 : i32
    return %c0_i32, %c0_i32_0 : i32, i32
  }
  func.func @transform_3(%arg0: i32) -> (i32, i32) {
    %c0_i32 = arith.constant 0 : i32
    %c0_i32_0 = arith.constant 0 : i32
    %c0_i32_1 = arith.constant 0 : i32
    return %c0_i32, %c0_i32_0 : i32, i32
  }
  func.func @transform_4(%arg0: i32) -> (i32, i32) {
    %c0_i32 = arith.constant 0 : i32
    %c0_i32_0 = arith.constant 0 : i32
    %c0_i32_1 = arith.constant 0 : i32
    return %c0_i32, %c0_i32_0 : i32, i32
  }
  func.func @transform_5(%arg0: i32) -> (i32, i32) {
    %c0_i32 = arith.constant 0 : i32
    %c0_i32_0 = arith.constant 0 : i32
    %c0_i32_1 = arith.constant 0 : i32
    return %c0_i32, %c0_i32_0 : i32, i32
  }
  func.func @transform_6(%arg0: i32) -> (i32, i32) {
    %c0_i32 = arith.constant 0 : i32
    %c0_i32_0 = arith.constant 0 : i32
    %c0_i32_1 = arith.constant 0 : i32
    return %c0_i32, %c0_i32_0 : i32, i32
  }
  func.func @transform_7(%arg0: i32) -> (i32, i32) {
    %c0_i32 = arith.constant 0 : i32
    %c0_i32_0 = arith.constant 0 : i32
    %c0_i32_1 = arith.constant 0 : i32
    return %c0_i32, %c0_i32_0 : i32, i32
  }
  func.func @transform_8(%arg0: i32) -> (i32, i32) {
    %c0_i32 = arith.constant 0 : i32
    %c0_i32_0 = arith.constant 0 : i32
    %c0_i32_1 = arith.constant 0 : i32
    return %c0_i32, %c0_i32_0 : i32, i32
  }
}

</mosaic_0001>

<sc_bundles>
// kernel: kernel.10.cloned.1.call-start
scs
__scs_entry_jumppad:
0x0: {  	(pc) =	sbr.rel $0x88, $3  }
0x1: {  	(tag) =	ssettag $0x0;
	lr =	simm.s32 $0x1  }
0x2: {  	[smem:$0x3F97] =	sst lr;
	_ =	strace $0xD0000000  }
0x3: {  	_ = 	snop  }
0x4: {  	_ = 	snop  }
0x5: {  	_ = 	snop  }
0x6: {  	_ = 	snop  }
0x7: {  	_ = 	snop  }
__scs_overlays_trampoline_lowered:
0x8: {  	[smem:$0x3FA6] =	sst s0  }
0x9: {  	[smem:$0x3FA7] =	sst s1  }
0xa: {  	[smem:$0x3FA8] =	sst s2  }
0xb: {  	[smem:$0x3FA9] =	sst s3  }
0xc: {  	[smem:$0x3FAA] =	sst s4  }
0xd: {  	[smem:$0x3FAB] =	sst s5  }
0xe: {  	[smem:$0x3FAC] =	sst s6  }
0xf: {  	[smem:$0x3FAD] =	sst s7  }
0x10: {  	[smem:$0x3FAE] =	sst s8  }
0x11: {  	[smem:$0x3FAF] =	sst s9;
	s0 =	simm.s32 @!p0 $0x0  }
0x12: {  	s1 =	sld [smem:$0x3F95];
	s0 =	simm.s32 @p0 $0x1  }
0x13: {  	[smem:$0x3FB0] =	sst s0;
	s0 =	simm.s32 @!p1 $0x0  }
0x14: {  	s2 =	sld [smem:$0x3F94];
	s0 =	simm.s32 @p1 $0x1  }
0x15: {  	[smem:$0x3FB1] =	sst s0;
	s0 =	simm.s32 @!p2 $0x0  }
0x16: {  	s3 =	sld [smem:$0x3FDB];
	s0 =	simm.s32 @p2 $0x1  }
0x17: {  	s4 =	simm.s32 $0x1BF5;
	[smem:$0x3FB3] =	sst s0  }
0x18: {  	s0 =	sld [smem:$0x3F96];
	_ =	swait.ge [sflag:s4], $0x0  }
0x19: {  	s7 =	sld [smem:$0x3F97]  }
0x1a: {  	s8 =	sadd.s32 $0xFFFFE003, lr  }
0x1b: {  	s9 =	sadd.s32 $0xFFFFFEF7, lr;
	s5 =	simm.s32 $0xFFFFFFFF;
	p2 =	slt.u32 s8, $0xFFFFF086  }
0x1c: {  	p1 =	slt.u32 s9, $0xF7A;
	s5 =	simm.s32 @!p2 $0x0  }
0x1d: {  	s5 =	simm.s32 @p1 $0x1;
	p0 =	seq.s32 s7, s2  }
0x1e: {  	s7 =	smul.u32 @!p0 $0xF7A, s2;
	p2 =	seq.s32 @!p0 s5, $0x0  }
0x1f: {  	s9 =	smul.u32 $0xF7A, s1;
	s8 =	simm.s32 @!p0 $0x1BF5;
	p2 =	por !p2, p0  }
0x20: {  	[sflag:s8] =	ssyncset.s32 @!p0 $0xFFFFF086;
	s6 =	sadd.s32 @!p0 s3, s7;
	s7 =	simm.s32 @!p0 $0x108  }
0x21: {  	s3 =	sadd.s32 s3, s9;
	s6 =	sadd.s32 @!p0 $0x88, s6;
	s7 =	simm.s32 @p2 $0x1082  }
0x22: {  	[simem:s7], [sflag:s8] =	dma.local @!p0 [hbm:s6], $0xF7A  }
0x23: {  	s9 =	sor.u32 $0xD0000000, s2;
	s6 =	simm.s32 $0x108;
	_ =	swait.ge @!p0 [sflag:s8], $0x0  }
0x24: {  	s3 =	sadd.s32 $0x88, s3;
	s6 =	simm.s32 @!p1 $0x1082;
	[sflag:s4] =	ssyncset.s32 $0xFFFFF086  }
0x25: {  	[simem:s6], [sflag:s4] =	dma.local [hbm:s3], $0xF7A  }
0x26: {  	[smem:$0x3F97] =	sst s1;
	(tag) =	ssettag s2;
	_ =	strace s9  }
0x27: {  	s1 =	sld [smem:$0x3FA7]  }
0x28: {  	s2 =	sld [smem:$0x3FA8]  }
0x29: {  	s4 =	sld [smem:$0x3FAA]  }
0x2a: {  	p0 =	seq.s32 s5, $0x0;
	s5 =	sld [smem:$0x3FAB]  }
0x2b: {  	s6 =	sld [smem:$0x3FAC]  }
0x2c: {  	s7 =	sld [smem:$0x3FAD]  }
0x2d: {  	s3 =	simm.s32 $0x108;
	s8 =	sld [smem:$0x3FAE]  }
0x2e: {  	s3 =	simm.s32 @!p0 $0x1082;
	s9 =	sld [smem:$0x3FAF]  }
0x2f: {  	lr =	sadd.s32 s0, s3;
	s0 =	sld [smem:$0x3FA6]  }
0x30: {  	s3 =	sld [smem:$0x3FA9]  }
0x31: {  	[smem:$0x3FB2] =	sst s10  }
0x32: {  	s10 =	sld [smem:$0x3FB0];
	_ =	sdelay $0x3  }
0x33: {  	p0 =	seq.s32 s10, $0x1;
	s10 =	sld [smem:$0x3FB2];
	_ =	sdelay $0x3  }
0x34: {  	[smem:$0x3FB2] =	sst s10  }
0x35: {  	s10 =	sld [smem:$0x3FB1];
	_ =	sdelay $0x3  }
0x36: {  	p1 =	seq.s32 s10, $0x1;
	s10 =	sld [smem:$0x3FB2];
	_ =	sdelay $0x3  }
0x37: {  	[smem:$0x3FB2] =	sst s10  }
0x38: {  	s10 =	sld [smem:$0x3FB3]  }
0x39: {  	_ = 	snop;
	(pc) =	sbr.ind lr, $3  }
0x3a: {  	_ = 	snop  }
0x3b: {  	_ = 	snop  }
0x3c: {  	p2 =	seq.s32 s10, $0x1;
	s10 =	sld [smem:$0x3FB2]  }
0x3d: {  	_ =	shalt  }
0x3e: {  	_ =	shalt  }
0x3f: {  	_ =	shalt  }
0x40: {  	_ =	shalt  }
0x41: {  	_ =	shalt  }
0x42: {  	_ =	shalt  }
0x43: {  	_ =	shalt  }
0x44: {  	_ =	shalt  }
0x45: {  	_ =	shalt  }
0x46: {  	_ =	shalt  }
0x47: {  	_ =	shalt  }
0x48: {  	_ =	shalt  }
0x49: {  	_ =	shalt  }
0x4a: {  	_ =	shalt  }
0x4b: {  	_ =	shalt  }
0x4c: {  	_ =	shalt  }
0x4d: {  	_ =	shalt  }
0x4e: {  	_ =	shalt  }
0x4f: {  	_ =	shalt  }
0x50: {  	_ =	shalt  }
0x51: {  	_ =	shalt  }
0x52: {  	_ =	shalt  }
0x53: {  	_ =	shalt  }
0x54: {  	_ =	shalt  }
0x55: {  	_ =	shalt  }
0x56: {  	_ =	shalt  }
0x57: {  	_ =	shalt  }
0x58: {  	_ =	shalt  }
0x59: {  	_ =	shalt  }
0x5a: {  	_ =	shalt  }
0x5b: {  	_ =	shalt  }
0x5c: {  	_ =	shalt  }
0x5d: {  	_ =	shalt  }
0x5e: {  	_ =	shalt  }
0x5f: {  	_ =	shalt  }
0x60: {  	_ =	shalt  }
0x61: {  	_ =	shalt  }
0x62: {  	_ =	shalt  }
0x63: {  	_ =	shalt  }
0x64: {  	_ =	shalt  }
0x65: {  	_ =	shalt  }
0x66: {  	_ =	shalt  }
0x67: {  	_ =	shalt  }
0x68: {  	_ =	shalt  }
0x69: {  	_ =	shalt  }
0x6a: {  	_ =	shalt  }
0x6b: {  	_ =	shalt  }
0x6c: {  	_ =	shalt  }
0x6d: {  	_ =	shalt  }
0x6e: {  	_ =	shalt  }
0x6f: {  	_ =	shalt  }
0x70: {  	_ =	shalt  }
0x71: {  	_ =	shalt  }
0x72: {  	_ =	shalt  }
0x73: {  	_ =	shalt  }
0x74: {  	_ =	shalt  }
0x75: {  	_ =	shalt  }
0x76: {  	_ =	shalt  }
0x77: {  	_ =	shalt  }
0x78: {  	_ =	shalt  }
0x79: {  	_ =	shalt  }
0x7a: {  	_ =	shalt  }
0x7b: {  	_ =	shalt  }
0x7c: {  	_ =	shalt  }
0x7d: {  	_ =	shalt  }
0x7e: {  	_ =	shalt  }
0x7f: {  	_ =	shalt  }
0x80: {  	_ =	shalt  }
0x81: {  	_ =	shalt  }
0x82: {  	_ =	shalt  }
0x83: {  	_ =	shalt  }
0x84: {  	_ =	shalt  }
0x85: {  	_ =	shalt  }
0x86: {  	_ =	shalt  }
0x87: {  	_ =	shalt  }
.Lfunc_end0:
.L_simem_size_0:
called_computation.1_lowered:
.L_overlay_start_0:
0x88: {  	s2 =	sld [smem:$0x3FD9]  }
0x89: {  	s3 =	sld [smem:$0x3FFE];
	_ =	sdelay $0x1  }
0x8a: {  	s1 =	srdreg.scid  }
0x8b: {  	s0 =	sand.u32 $0x1, s1  }
0x8c: {  	s16 =	sshll.u32 s0, $0xA;
	s2 =	sadd.s32 s3, s2  }
0x8d: {  	s2 =	sadd.s32 s2, s16  }
0x8e: {  	[smem:$0x3FBE] =	sst s2  }
0x8f: {  	_ = 	snop  }
0x90: {  	(tm) =	ssettm $0x1  }
0x91: {  	s17 =	sld [smem:$0x3FFB];
	_ =	sdelay $0x3  }
0x92: {  	_ =	strace s17  }
0x93: {  	s2 =	sld [smem:$0x3FFC];
	_ =	sdelay $0x3  }
0x94: {  	_ =	strace s2  }
0x95: {  	s2 =	sld [smem:$0x3FFD];
	_ =	sdelay $0x3  }
0x96: {  	_ =	strace s2  }
0x97: {  	_ =	strace $0x8FFFFFFF  }
0x98: {  	s18 =	sld [smem:$0x3FDB];
	_ =	sdelay $0x1  }
0x99: {  	s19 =	simm.s32 $_scs_section_size  }
0x9a: {  	s4 =	simm.s32 $_size__tile_overlayer_lowered;
	s5 =	simm.s32 $_tile_overlayer_lowered  }
0x9b: {  	s22 =	simm.s32 $0x1BFF;
	s21 =	sshll.u32 s5, $0x1;
	s2 =	sadd.s32 s19, s18  }
0x9c: {  	s6 =	simm.s32 $0x0;
	s20 =	sshll.u32 s4, $0x1;
	s4 =	sadd.s32 s21, s2  }
0x9d: {  	[timem:s6], [sflag:s22] =	dma.local [hbm:s4], s20  }
0x9e: {  	_ =	swait.ge [sflag:s22], s20  }
0x9f: {  	s3 =	ssub.s32 $0x0, s20;
	[sflag:s22] =	ssyncset.done $0x0  }
0xa0: {  	[sflag:s22] =	ssyncadd.s32 s3;
	_ =	sdelay $0x1  }
0xa1: {  	s23 =	simm.s32 $0x1B8B  }
0xa2: {  	_ =	swait.ge [sflag:s23], $0x1  }
0xa3: {  	[sflag:s23] =	ssyncset.done $0x0  }
0xa4: {  	s25 =	simm.s32 $0x1B8E;
	s24 =	sld [smem:$0x3FFE];
	[sflag:s23] =	ssyncadd.s32 $0xFFFFFFFF  }
0xa5: {  	s26 =	simm.s32 $execute0_lowered;
	[smem:$0x3FD2] =	sst s25  }
0xa6: {  	s4 =	sshll.u32 s26, $0x1;
	_ =	strace $0x80000049;
	[dreg:$0x1] =	wrdreg $0xFFFFFFFF  }
0xa7: {  	s28 =	simm.s32 $_size_execute0_lowered;
	s2 =	sadd.s32 s2, s4;
	[dreg:$0x0] =	wrdreg $0x0  }
0xa8: {  	s4 =	sshll.u32 s28, $0x1;
	[dreg:$0x2] =	wrdreg s2  }
0xa9: {  	[dreg:$0x3] =	wrdreg s4  }
0xaa: {  	[dreg:$0x4] =	wrdreg $0xC0  }
0xab: {  	_ =	task [dreg:s6], $0x5FFFF  }
0xac: {  	[dreg:$0x1] =	wrdreg $0xFFFFFFFF  }
0xad: {  	[dreg:$0x0] =	wrdreg $0x60  }
0xae: {  	[dreg:$0x2] =	wrdreg s24  }
0xaf: {  	[dreg:$0x3] =	wrdreg $0x9  }
0xb0: {  	_ =	task.clear_ibuf [dreg:s6], $0x4FFFF;
	_ =	strace $0x90000049  }
0xb1: {  	s29 =	simm.s32 $0x9;
	_ =	strace $0x8000004B  }
0xb2: {  	_ =	swait.ge [sflag:s29], $0x1  }
0xb3: {  	[sflag:s29] =	ssyncadd.s32 $0xFFFFFFFF  }
0xb4: {  	_ =	strace $0x9000004B  }
0xb5: {  	_ =	sfence  }
0xb6: {  	s30 =	sld [smem:$0x0];
	_ =	sdelay $0x2  }
0xb7: {  	s31 =	sshll.u32 s1, $0xD;
	s1 =	sshrl.u32 s1, $0x2  }
0xb8: {  	s3 =	sand.u32 $0x4000, s31;
	s1 =	sadd.s32 s1, s30  }
0xb9: {  	s0 =	sor.u32 s3, s0;
	s1 =	sshll.u32 s1, $0x11  }
0xba: {  	s0 =	sor.u32 s1, s0  }
0xbb: {  	s0 =	sadd.s32 $0x8F2B, s0  }
0xbc: {  	[sflag:s0] =	ssyncadd.remote.s32 $0x1  }
0xbd: {  	_ =	sfence.sel $0xFFFF  }
0xbe: {  	[dreg:$0x0] =	wrdreg $0xFFFFFFFF;
	(pc) =	sbr.abs _section_cstart, $3  }
0xbf: {  	[dreg:$0x1] =	wrdreg $0xFFFFFFFF  }
0xc0: {  	_ =	task.clear_ibuf [dreg:s6], $0x2FFFF;
	_ =	strace $0x9FFFFFFF  }
0xc1: {  	(tm) =	ssettm $0x7FFFFFFF  }
tec
execute0_lowered:
.L_overlay_start_1:
0x0: {  	(tag) =	ssettag $0x1  }
0x1: {  	s1 =	srdreg.scid  }
0x2: {  	s0 =	stileid.u32;
	s4 =	rddreg [dreg:$0x0];
	s2 =	simm.s32 $0x0  }
0x3: {  	s11 =	simm.s32 $0x1;
	s12 =	simm.s32 $0x2780;
	s13 =	simm.s32 $0x4F00  }
0x4: {  	s14 =	simm.s32 $0x7680;
	s3 =	sand.u32 $0x1, s1;
	s30 =	sshll.u32 s0, $0x1  }
0x5: {  	s15 =	simm.s32 $0x9E00;
	s16 =	simm.s32 $0xC580;
	s1 =	sor.u32 s3, s30  }
0x6: {  	s17 =	simm.s32 $0xED00;
	s3 =	ssub.s32 $0x2, s3;
	s5 =	smul.u32 $0x4E2, s1  }
0x7: {  	s18 =	simm.s32 $0x0;
	[smem:$0x7FF] =	sst s2;
	s31 =	sshrl.u32 s3, $0x1  }
0x8: {  	s1 =	rddreg [dreg:$0x1];
	s10 =	ssub.s32 s3, s31;
	s9 =	sadd.s32 s5, s4  }
0x9: {  	_ =	strace $0x8000004A;
	s10 =	smax.u32 s10, $0x1;
	s3 =	sadd.s32 $0x33800, s9  }
0xa: {  	s4 =	sadd.s32 $0x16200, s9;
	s5 =	sadd.s32 $0xC400, s9;
	s6 =	sadd.s32 $0x2600, s9  }
0xb: {  	v0 =	vimm.f32 $0.0e+00;
	s7 =	sadd.s32 $0x20000, s9;
	s8 =	sadd.s32 $0x3D600, s9;
	s9 =	sadd.s32 $0x47400, s9  }
.LBB2_1:
0xc: {  	[tilespmem:s2], [sflag:$0x1] =	stream.linear.gather [hbm4b:s3+s2], $0x2710, $0x38;
	[tilespmem:$0x11480] =	vst v63  }
0xd: {  	_ =	swait.ge [sflag:s11], $0x2710  }
0xe: {  	[sflag:s11] =	ssyncset.done $0x0  }
0xf: {  	[sflag:s11] =	ssyncadd.s32 $0xFFFFD8F0  }
0x10: {  	[tilespmem:s12], [sflag:$0x1] =	stream.linear.gather [hbm4b:s4+s2], $0x2710, $0x38;
	[tilespmem:$0x11480] =	vst v63  }
0x11: {  	_ =	swait.ge [sflag:s11], $0x2710  }
0x12: {  	[sflag:s11] =	ssyncset.done $0x0  }
0x13: {  	[sflag:s11] =	ssyncadd.s32 $0xFFFFD8F0  }
0x14: {  	[tilespmem:s13], [sflag:$0x1] =	stream.linear.gather [hbm4b:s5+s2], $0x2710, $0x38;
	[tilespmem:$0x11480] =	vst v63  }
0x15: {  	_ =	swait.ge [sflag:s11], $0x2710  }
0x16: {  	[sflag:s11] =	ssyncset.done $0x0  }
0x17: {  	[sflag:s11] =	ssyncadd.s32 $0xFFFFD8F0  }
0x18: {  	[tilespmem:s14], [sflag:$0x1] =	stream.linear.gather [hbm4b:s6+s2], $0x2710, $0x38;
	[tilespmem:$0x11480] =	vst v63  }
0x19: {  	_ =	swait.ge [sflag:s11], $0x2710  }
0x1a: {  	[sflag:s11] =	ssyncset.done $0x0  }
0x1b: {  	s19 =	simm.s32 $0x0;
	[sflag:s11] =	ssyncadd.s32 $0xFFFFD8F0  }
.LBB2_2:
0x1c: {  	p0 =	sne.s32 s19, $0x9C00  }
.Ltmp0:
0x1d: {  	_ = 	snop;
	(pc) =	sbr.rel @p0 .LBB2_2-.Ltmp0, $4  }
0x1e: {  	s20 =	sshra.s32 s19, $0x2  }
0x1f: {  	[tilespmem:s20+$0x9E00] =	vst v0  }
0x20: {  	[tilespmem:s20+$0xC580] =	vst v0  }
0x21: {  	s19 =	sadd.s32 $0x40, s19;
	[tilespmem:s20+$0xED00] =	vst v0  }
0x22: {  	s21 =	simm.s32 $0x0  }
0x23: {  	v1 =	vld [tilespmem:s21+$0x0];
	_ =	sdelay $0x2  }
0x24: {  	v2 =	vld [tilespmem:s21+$0x2780];
	_ =	sdelay $0x4  }
0x25: {  	[tilespmem:v1+s15+$0x0] =	vst.idx.add.f32.msk $0xffff, v2  }
0x26: {  	v2 =	vld [tilespmem:s21+$0x4F00];
	_ =	sdelay $0x4  }
0x27: {  	[tilespmem:v1+s16+$0x0] =	vst.idx.add.f32.msk $0xffff, v2  }
0x28: {  	s19 =	simm.s32 $0x40;
	s20 =	simm.s32 $0x80;
	v2 =	vld [tilespmem:s21+$0x7680]  }
.LBB2_4:
0x29: {  	_ =	sdelay $0x2  }
0x2a: {  	p0 =	sne.s32 s20, $0x9C00  }
0x2b: {  	s21 =	sshra.s32 s19, $0x2;
	s19 =	smov.u32 s20;
	s20 =	sadd.s32 $0x40, s20;
	[tilespmem:v1+s17+$0x0] =	vst.idx.add.f32.msk $0xffff, v2  }
0x2c: {  	v1 =	vld [tilespmem:s21+$0x0];
	_ =	sdelay $0x2  }
0x2d: {  	v2 =	vld [tilespmem:s21+$0x2780];
	_ =	sdelay $0x4  }
0x2e: {  	[tilespmem:v1+s15+$0x0] =	vst.idx.add.f32.msk $0xffff, v2  }
0x2f: {  	v2 =	vld [tilespmem:s21+$0x4F00];
	_ =	sdelay $0x1  }
.Ltmp1:
0x30: {  	(pc) =	sbr.rel @p0 .LBB2_4-.Ltmp1, $3  }
0x31: {  	_ =	sdelay $0x1  }
0x32: {  	[tilespmem:v1+s16+$0x0] =	vst.idx.add.f32.msk $0xffff, v2  }
0x33: {  	v2 =	vld [tilespmem:s21+$0x7680]  }
0x34: {  	_ =	sdelay $0x3  }
0x35: {  	s19 =	sshra.s32 s19, $0x2;
	[tilespmem:v1+s17+$0x0] =	vst.idx.add.f32.msk $0xffff, v2  }
0x36: {  	v1 =	vld [tilespmem:s19+$0x0];
	_ =	sdelay $0x2  }
0x37: {  	v2 =	vld [tilespmem:s19+$0x2780];
	_ =	sdelay $0x4  }
0x38: {  	[tilespmem:v1+s15+$0x0] =	vst.idx.add.f32.msk $0xffff, v2  }
0x39: {  	v2 =	vld [tilespmem:s19+$0x4F00];
	_ =	sdelay $0x4  }
0x3a: {  	[tilespmem:v1+s16+$0x0] =	vst.idx.add.f32.msk $0xffff, v2  }
0x3b: {  	v2 =	vld [tilespmem:s19+$0x7680];
	_ =	sdelay $0x4  }
0x3c: {  	[tilespmem:v1+s17+$0x0] =	vst.idx.add.f32.msk $0xffff, v2  }
0x3d: {  	[hbm4b:s7+s2] =	stream.linear.scatter [tilespmem:s15], [sflag:$0x1], $0x2710, $0x38;
	[tilespmem:$0x11480] =	vst v63  }
0x3e: {  	_ =	swait.ge [sflag:s11], $0x2710  }
0x3f: {  	[sflag:s11] =	ssyncset.done $0x0  }
0x40: {  	[sflag:s11] =	ssyncadd.s32 $0xFFFFD8F0  }
0x41: {  	[hbm4b:s8+s2] =	stream.linear.scatter [tilespmem:s16], [sflag:$0x1], $0x2710, $0x38;
	[tilespmem:$0x11480] =	vst v63  }
0x42: {  	s18 =	sadd.s32 $0x1, s18;
	_ =	swait.ge [sflag:s11], $0x2710  }
0x43: {  	p0 =	sne.s32 s18, s10;
	[sflag:s11] =	ssyncset.done $0x0  }
.Ltmp2:
0x44: {  	[sflag:s11] =	ssyncadd.s32 $0xFFFFD8F0;
	(pc) =	sbr.rel @p0 .LBB2_1-.Ltmp2, $4  }
0x45: {  	[hbm4b:s9+s2] =	stream.linear.scatter [tilespmem:s17], [sflag:$0x1], $0x2710, $0x38;
	[tilespmem:$0x11480] =	vst v63  }
0x46: {  	_ =	swait.ge [sflag:s11], $0x2710  }
0x47: {  	[sflag:s11] =	ssyncset.done $0x0  }
0x48: {  	[sflag:s11] =	ssyncadd.s32 $0xFFFFD8F0  }
0x49: {  	_ =	sfence.sel $0x180000  }
0x4a: {  	[bflag:$0x0] =	sbarrier.arrive $0xFFFF  }
0x4b: {  	p0 =	sne.s32 s0, $0x0;
	_ =	strace $0x9000004A  }
0x4c: {  	s0 =	sadd.s32 @!p0 $0x100000, s1;
	[bflag:$0x2] =	sbarrier.arrive $0xFFFF  }
0x4d: {  	[sflag:s0] =	ssyncadd.tile.s32 @!p0 $0x1;
	_ =	shalt  }
.Lfunc_end2:
_tile_overlayer_lowered:
.L_overlay_start_2:
0x4e: {  	(tag) =	ssettag $0x2  }
0x4f: {  	s0 =	rddreg [dreg:$0x0];
	s2 =	stileid.u32  }
0x50: {  	s1 =	rddreg [dreg:$0x1];
	p0 =	sne.s32 s2, $0x0  }
0x51: {  	s3 =	rddreg [dreg:$0x2];
	[bflag:$0x3] =	sbarrier.arrive $0xFFFF;
	s2 =	simm.s32 @!p0 $0x1C01  }
0x52: {  	[timem:s3], [sflag:s2] =	dma.local @!p0 [hbm:s0], s1  }
0x53: {  	s0 =	simm.s32 @!p0 $0x1  }
0x54: {  	_ =	swait.ge @!p0 [sflag:s0], s1  }
0x55: {  	s1 =	ssub.s32 @!p0 $0x0, s1;
	[sflag:s0] =	ssyncset.done @!p0 $0x0  }
0x56: {  	[sflag:s0] =	ssyncadd.s32 @!p0 s1  }
0x57: {  	[bflag:$0x3] =	sbarrier.arrive $0xFFFF  }
0x58: {  	_ =	shalt  }

// kernel: kernel.7.cloned.1.call-start
scs
__scs_entry_jumppad:
0x0: {  	(pc) =	sbr.rel $0x88, $3  }
0x1: {  	(tag) =	ssettag $0x0;
	lr =	simm.s32 $0x1  }
0x2: {  	[smem:$0x3F97] =	sst lr;
	_ =	strace $0xD0000000  }
0x3: {  	_ = 	snop  }
0x4: {  	_ = 	snop  }
0x5: {  	_ = 	snop  }
0x6: {  	_ = 	snop  }
0x7: {  	_ = 	snop  }
__scs_overlays_trampoline_lowered:
0x8: {  	[smem:$0x3FA6] =	sst s0  }
0x9: {  	[smem:$0x3FA7] =	sst s1  }
0xa: {  	[smem:$0x3FA8] =	sst s2  }
0xb: {  	[smem:$0x3FA9] =	sst s3  }
0xc: {  	[smem:$0x3FAA] =	sst s4  }
0xd: {  	[smem:$0x3FAB] =	sst s5  }
0xe: {  	[smem:$0x3FAC] =	sst s6  }
0xf: {  	[smem:$0x3FAD] =	sst s7  }
0x10: {  	[smem:$0x3FAE] =	sst s8  }
0x11: {  	[smem:$0x3FAF] =	sst s9;
	s0 =	simm.s32 @!p0 $0x0  }
0x12: {  	s1 =	sld [smem:$0x3F95];
	s0 =	simm.s32 @p0 $0x1  }
0x13: {  	[smem:$0x3FB0] =	sst s0;
	s0 =	simm.s32 @!p1 $0x0  }
0x14: {  	s2 =	sld [smem:$0x3F94];
	s0 =	simm.s32 @p1 $0x1  }
0x15: {  	[smem:$0x3FB1] =	sst s0;
	s0 =	simm.s32 @!p2 $0x0  }
0x16: {  	s3 =	sld [smem:$0x3FDB];
	s0 =	simm.s32 @p2 $0x1  }
0x17: {  	s4 =	simm.s32 $0x1BF5;
	[smem:$0x3FB3] =	sst s0  }
0x18: {  	s0 =	sld [smem:$0x3F96];
	_ =	swait.ge [sflag:s4], $0x0  }
0x19: {  	s7 =	sld [smem:$0x3F97]  }
0x1a: {  	s8 =	sadd.s32 $0xFFFFE003, lr  }
0x1b: {  	s9 =	sadd.s32 $0xFFFFFEF7, lr;
	s5 =	simm.s32 $0xFFFFFFFF;
	p2 =	slt.u32 s8, $0xFFFFF086  }
0x1c: {  	p1 =	slt.u32 s9, $0xF7A;
	s5 =	simm.s32 @!p2 $0x0  }
0x1d: {  	s5 =	simm.s32 @p1 $0x1;
	p0 =	seq.s32 s7, s2  }
0x1e: {  	s7 =	smul.u32 @!p0 $0xF7A, s2;
	p2 =	seq.s32 @!p0 s5, $0x0  }
0x1f: {  	s9 =	smul.u32 $0xF7A, s1;
	s8 =	simm.s32 @!p0 $0x1BF5;
	p2 =	por !p2, p0  }
0x20: {  	[sflag:s8] =	ssyncset.s32 @!p0 $0xFFFFF086;
	s6 =	sadd.s32 @!p0 s3, s7;
	s7 =	simm.s32 @!p0 $0x108  }
0x21: {  	s3 =	sadd.s32 s3, s9;
	s6 =	sadd.s32 @!p0 $0x88, s6;
	s7 =	simm.s32 @p2 $0x1082  }
0x22: {  	[simem:s7], [sflag:s8] =	dma.local @!p0 [hbm:s6], $0xF7A  }
0x23: {  	s9 =	sor.u32 $0xD0000000, s2;
	s6 =	simm.s32 $0x108;
	_ =	swait.ge @!p0 [sflag:s8], $0x0  }
0x24: {  	s3 =	sadd.s32 $0x88, s3;
	s6 =	simm.s32 @!p1 $0x1082;
	[sflag:s4] =	ssyncset.s32 $0xFFFFF086  }
0x25: {  	[simem:s6], [sflag:s4] =	dma.local [hbm:s3], $0xF7A  }
0x26: {  	[smem:$0x3F97] =	sst s1;
	(tag) =	ssettag s2;
	_ =	strace s9  }
0x27: {  	s1 =	sld [smem:$0x3FA7]  }
0x28: {  	s2 =	sld [smem:$0x3FA8]  }
0x29: {  	s4 =	sld [smem:$0x3FAA]  }
0x2a: {  	p0 =	seq.s32 s5, $0x0;
	s5 =	sld [smem:$0x3FAB]  }
0x2b: {  	s6 =	sld [smem:$0x3FAC]  }
0x2c: {  	s7 =	sld [smem:$0x3FAD]  }
0x2d: {  	s3 =	simm.s32 $0x108;
	s8 =	sld [smem:$0x3FAE]  }
0x2e: {  	s3 =	simm.s32 @!p0 $0x1082;
	s9 =	sld [smem:$0x3FAF]  }
0x2f: {  	lr =	sadd.s32 s0, s3;
	s0 =	sld [smem:$0x3FA6]  }
0x30: {  	s3 =	sld [smem:$0x3FA9]  }
0x31: {  	[smem:$0x3FB2] =	sst s10  }
0x32: {  	s10 =	sld [smem:$0x3FB0];
	_ =	sdelay $0x3  }
0x33: {  	p0 =	seq.s32 s10, $0x1;
	s10 =	sld [smem:$0x3FB2];
	_ =	sdelay $0x3  }
0x34: {  	[smem:$0x3FB2] =	sst s10  }
0x35: {  	s10 =	sld [smem:$0x3FB1];
	_ =	sdelay $0x3  }
0x36: {  	p1 =	seq.s32 s10, $0x1;
	s10 =	sld [smem:$0x3FB2];
	_ =	sdelay $0x3  }
0x37: {  	[smem:$0x3FB2] =	sst s10  }
0x38: {  	s10 =	sld [smem:$0x3FB3]  }
0x39: {  	_ = 	snop;
	(pc) =	sbr.ind lr, $3  }
0x3a: {  	_ = 	snop  }
0x3b: {  	_ = 	snop  }
0x3c: {  	p2 =	seq.s32 s10, $0x1;
	s10 =	sld [smem:$0x3FB2]  }
0x3d: {  	_ =	shalt  }
0x3e: {  	_ =	shalt  }
0x3f: {  	_ =	shalt  }
0x40: {  	_ =	shalt  }
0x41: {  	_ =	shalt  }
0x42: {  	_ =	shalt  }
0x43: {  	_ =	shalt  }
0x44: {  	_ =	shalt  }
0x45: {  	_ =	shalt  }
0x46: {  	_ =	shalt  }
0x47: {  	_ =	shalt  }
0x48: {  	_ =	shalt  }
0x49: {  	_ =	shalt  }
0x4a: {  	_ =	shalt  }
0x4b: {  	_ =	shalt  }
0x4c: {  	_ =	shalt  }
0x4d: {  	_ =	shalt  }
0x4e: {  	_ =	shalt  }
0x4f: {  	_ =	shalt  }
0x50: {  	_ =	shalt  }
0x51: {  	_ =	shalt  }
0x52: {  	_ =	shalt  }
0x53: {  	_ =	shalt  }
0x54: {  	_ =	shalt  }
0x55: {  	_ =	shalt  }
0x56: {  	_ =	shalt  }
0x57: {  	_ =	shalt  }
0x58: {  	_ =	shalt  }
0x59: {  	_ =	shalt  }
0x5a: {  	_ =	shalt  }
0x5b: {  	_ =	shalt  }
0x5c: {  	_ =	shalt  }
0x5d: {  	_ =	shalt  }
0x5e: {  	_ =	shalt  }
0x5f: {  	_ =	shalt  }
0x60: {  	_ =	shalt  }
0x61: {  	_ =	shalt  }
0x62: {  	_ =	shalt  }
0x63: {  	_ =	shalt  }
0x64: {  	_ =	shalt  }
0x65: {  	_ =	shalt  }
0x66: {  	_ =	shalt  }
0x67: {  	_ =	shalt  }
0x68: {  	_ =	shalt  }
0x69: {  	_ =	shalt  }
0x6a: {  	_ =	shalt  }
0x6b: {  	_ =	shalt  }
0x6c: {  	_ =	shalt  }
0x6d: {  	_ =	shalt  }
0x6e: {  	_ =	shalt  }
0x6f: {  	_ =	shalt  }
0x70: {  	_ =	shalt  }
0x71: {  	_ =	shalt  }
0x72: {  	_ =	shalt  }
0x73: {  	_ =	shalt  }
0x74: {  	_ =	shalt  }
0x75: {  	_ =	shalt  }
0x76: {  	_ =	shalt  }
0x77: {  	_ =	shalt  }
0x78: {  	_ =	shalt  }
0x79: {  	_ =	shalt  }
0x7a: {  	_ =	shalt  }
0x7b: {  	_ =	shalt  }
0x7c: {  	_ =	shalt  }
0x7d: {  	_ =	shalt  }
0x7e: {  	_ =	shalt  }
0x7f: {  	_ =	shalt  }
0x80: {  	_ =	shalt  }
0x81: {  	_ =	shalt  }
0x82: {  	_ =	shalt  }
0x83: {  	_ =	shalt  }
0x84: {  	_ =	shalt  }
0x85: {  	_ =	shalt  }
0x86: {  	_ =	shalt  }
0x87: {  	_ =	shalt  }
.Lfunc_end0:
.L_simem_size_0:
called_computation_lowered:
.L_overlay_start_0:
0x88: {  	s2 =	sld [smem:$0x3FD9]  }
0x89: {  	s3 =	sld [smem:$0x3FFE];
	_ =	sdelay $0x1  }
0x8a: {  	s1 =	srdreg.scid  }
0x8b: {  	s0 =	sand.u32 $0x1, s1  }
0x8c: {  	s16 =	sshll.u32 s0, $0xA;
	s2 =	sadd.s32 s3, s2  }
0x8d: {  	s2 =	sadd.s32 s2, s16  }
0x8e: {  	[smem:$0x3FBE] =	sst s2  }
0x8f: {  	_ = 	snop  }
0x90: {  	(tm) =	ssettm $0x1  }
0x91: {  	s17 =	sld [smem:$0x3FFB];
	_ =	sdelay $0x3  }
0x92: {  	_ =	strace s17  }
0x93: {  	s2 =	sld [smem:$0x3FFC];
	_ =	sdelay $0x3  }
0x94: {  	_ =	strace s2  }
0x95: {  	s2 =	sld [smem:$0x3FFD];
	_ =	sdelay $0x3  }
0x96: {  	_ =	strace s2  }
0x97: {  	_ =	strace $0x8FFFFFFF  }
0x98: {  	s18 =	sld [smem:$0x3FDB];
	_ =	sdelay $0x1  }
0x99: {  	s19 =	simm.s32 $_scs_section_size  }
0x9a: {  	s4 =	simm.s32 $_size__tile_overlayer_lowered;
	s5 =	simm.s32 $_tile_overlayer_lowered  }
0x9b: {  	s22 =	simm.s32 $0x1BFF;
	s21 =	sshll.u32 s5, $0x1;
	s2 =	sadd.s32 s19, s18  }
0x9c: {  	s6 =	simm.s32 $0x0;
	s20 =	sshll.u32 s4, $0x1;
	s4 =	sadd.s32 s21, s2  }
0x9d: {  	[timem:s6], [sflag:s22] =	dma.local [hbm:s4], s20  }
0x9e: {  	_ =	swait.ge [sflag:s22], s20  }
0x9f: {  	s3 =	ssub.s32 $0x0, s20;
	[sflag:s22] =	ssyncset.done $0x0  }
0xa0: {  	[sflag:s22] =	ssyncadd.s32 s3;
	_ =	sdelay $0x1  }
0xa1: {  	s23 =	simm.s32 $0x1B8B  }
0xa2: {  	_ =	swait.ge [sflag:s23], $0x1  }
0xa3: {  	[sflag:s23] =	ssyncset.done $0x0  }
0xa4: {  	s25 =	simm.s32 $0x1B8E;
	s24 =	sld [smem:$0x3FFE];
	[sflag:s23] =	ssyncadd.s32 $0xFFFFFFFF  }
0xa5: {  	s26 =	simm.s32 $execute0_lowered;
	[smem:$0x3FD2] =	sst s25  }
0xa6: {  	s4 =	sshll.u32 s26, $0x1;
	_ =	strace $0x80000046;
	[dreg:$0x1] =	wrdreg $0xFFFFFFFF  }
0xa7: {  	s28 =	simm.s32 $_size_execute0_lowered;
	s2 =	sadd.s32 s2, s4;
	[dreg:$0x0] =	wrdreg $0x0  }
0xa8: {  	s4 =	sshll.u32 s28, $0x1;
	[dreg:$0x2] =	wrdreg s2  }
0xa9: {  	[dreg:$0x3] =	wrdreg s4  }
0xaa: {  	[dreg:$0x4] =	wrdreg $0xC0  }
0xab: {  	_ =	task [dreg:s6], $0x5FFFF  }
0xac: {  	[dreg:$0x1] =	wrdreg $0xFFFFFFFF  }
0xad: {  	[dreg:$0x0] =	wrdreg $0x60  }
0xae: {  	[dreg:$0x2] =	wrdreg s24  }
0xaf: {  	[dreg:$0x3] =	wrdreg $0x9  }
0xb0: {  	_ =	task.clear_ibuf [dreg:s6], $0x4FFFF;
	_ =	strace $0x90000046  }
0xb1: {  	s29 =	simm.s32 $0x9;
	_ =	strace $0x80000048  }
0xb2: {  	_ =	swait.ge [sflag:s29], $0x1  }
0xb3: {  	[sflag:s29] =	ssyncadd.s32 $0xFFFFFFFF  }
0xb4: {  	_ =	strace $0x90000048  }
0xb5: {  	_ =	sfence  }
0xb6: {  	s30 =	sld [smem:$0x0];
	_ =	sdelay $0x2  }
0xb7: {  	s31 =	sshll.u32 s1, $0xD;
	s1 =	sshrl.u32 s1, $0x2  }
0xb8: {  	s3 =	sand.u32 $0x4000, s31;
	s1 =	sadd.s32 s1, s30  }
0xb9: {  	s0 =	sor.u32 s3, s0;
	s1 =	sshll.u32 s1, $0x11  }
0xba: {  	s0 =	sor.u32 s1, s0  }
0xbb: {  	s0 =	sadd.s32 $0x8F2B, s0  }
0xbc: {  	[sflag:s0] =	ssyncadd.remote.s32 $0x1  }
0xbd: {  	_ =	sfence.sel $0xFFFF  }
0xbe: {  	[dreg:$0x0] =	wrdreg $0xFFFFFFFF;
	(pc) =	sbr.abs _section_cstart, $3  }
0xbf: {  	[dreg:$0x1] =	wrdreg $0xFFFFFFFF  }
0xc0: {  	_ =	task.clear_ibuf [dreg:s6], $0x2FFFF;
	_ =	strace $0x9FFFFFFF  }
0xc1: {  	(tm) =	ssettm $0x7FFFFFFF  }
tec
execute0_lowered:
.L_overlay_start_1:
0x0: {  	(tag) =	ssettag $0x1  }
0x1: {  	s0 =	rddreg [dreg:$0x0];
	s1 =	simm.s32 $0x0  }
0x2: {  	s23 =	srdreg.scid;
	s2 =	stileid.u32;
	s20 =	simm.s32 $0x80  }
0x3: {  	s21 =	simm.s32 $0x4E20;
	s22 =	simm.s32 $0x48;
	s28 =	simm.s32 $0x11620  }
0x4: {  	s29 =	simm.s32 $0x8020;
	s17 =	simm.s32 $0x1CC20;
	s18 =	simm.s32 $0x1  }
0x5: {  	s19 =	simm.s32 $0x3;
	s13 =	simm.s32 $0x5;
	s14 =	simm.s32 $0x7  }
0x6: {  	s15 =	simm.s32 $0x40;
	s16 =	simm.s32 $0x2;
	[smem:$0x7FF] =	sst s1  }
0x7: {  	s1 =	sand.u32 $0x1, s23;
	s2 =	sshll.u32 s2, $0x1;
	s7 =	sadd.s32 $0x33800, s0  }
0x8: {  	s8 =	sadd.s32 $0x29A00, s0;
	s3 =	sadd.s32 $0x16000, s0;
	s2 =	sor.u32 s1, s2  }
0x9: {  	s5 =	sadd.s32 $0x2600, s0;
	s6 =	sadd.s32 $0x3D600, s0;
	s4 =	smul.u32 $0x1388, s2  }
0xa: {  	s11 =	sadd.s32 $0x3D608, s0;
	s1 =	ssub.s32 $0x2, s1;
	s2 =	smul.u32 $0x9C400, s2  }
0xb: {  	s23 =	simm.s32 $0x6;
	_ =	strace $0x80000047;
	s9 =	sshrl.u32 s1, $0x1  }
0xc: {  	s1 =	ssub.s32 s1, s9;
	s24 =	sshrl.u32 s4, $0x3;
	s2 =	sshrl.u32 s2, $0x3  }
0xd: {  	s12 =	sadd.s32 $0xC8, s4;
	s31 =	smax.u32 s1, $0x1;
	s1 =	simm.s32 $0x19A20  }
0xe: {  	s10 =	sadd.s32 s7, s24;
	s25 =	sadd.s32 s8, s24;
	[dreg:$0x8] =	wrdreg s31  }
0xf: {  	s9 =	sadd.s32 $0x4E20, s24;
	s30 =	sadd.s32 s6, s2;
	[dreg:$0x2] =	wrdreg s10  }
0x10: {  	s24 =	simm.s32 $0xA;
	[dreg:$0x3] =	wrdreg s25;
	s7 =	sadd.s32 s7, s9  }
0x11: {  	s26 =	sadd.s32 s8, s9;
	s2 =	sadd.s32 $0x12C00, s30;
	[dreg:$0x4] =	wrdreg s7  }
0x12: {  	s0 =	sadd.s32 $0x12C08, s30;
	s8 =	simm.s32 $0x14820;
	[dreg:$0x5] =	wrdreg s26  }
0x13: {  	s25 =	simm.s32 $0x4;
	s9 =	simm.s32 $0x0;
	[dreg:$0x6] =	wrdreg s2  }
0x14: {  	[dreg:$0x7] =	wrdreg s0;
	s2 =	simm.s32 $0x9;
	s0 =	simm.s32 $0x8  }
.LBB2_1:
0x15: {  	[dreg:$0x9] =	wrdreg s9  }
0x16: {  	s7 =	simm.s32 $0x0;
	s30 =	rddreg [dreg:$0x2];
	s26 =	simm.s32 $0xB  }
0x17: {  	[tilespmem:s7], [sflag:$0xB] =	stream.linear.gather [hbm4b:s30+s7], $0x1388, $0x38;
	[tilespmem:$0x1DE20] =	vst v63  }
0x18: {  	_ =	swait.ge [sflag:s26], $0x1388  }
0x19: {  	[sflag:s26] =	ssyncset.done $0x0  }
0x1a: {  	s30 =	simm.s32 $0x1388;
	s31 =	rddreg [dreg:$0x3];
	[sflag:s26] =	ssyncadd.s32 $0xFFFFEC78  }
0x1b: {  	[tilespmem:s30], [sflag:$0xB] =	stream.linear.gather [hbm4b:s31+s7], $0x1388, $0x38;
	[tilespmem:$0x1DE20] =	vst v63  }
0x1c: {  	_ =	swait.ge [sflag:s26], $0x1388  }
0x1d: {  	[sflag:s26] =	ssyncset.done $0x0  }
0x1e: {  	s31 =	simm.s32 $0x2710;
	s10 =	rddreg [dreg:$0x4];
	[sflag:s26] =	ssyncadd.s32 $0xFFFFEC78  }
0x1f: {  	[tilespmem:s31], [sflag:$0xB] =	stream.linear.gather [hbm4b:s10+s7], $0x1388, $0x38;
	[tilespmem:$0x1DE20] =	vst v63  }
0x20: {  	_ =	swait.ge [sflag:s26], $0x1388  }
0x21: {  	[sflag:s26] =	ssyncset.done $0x0  }
0x22: {  	s10 =	simm.s32 $0x3A98;
	s9 =	rddreg [dreg:$0x5];
	[sflag:s26] =	ssyncadd.s32 $0xFFFFEC78  }
0x23: {  	[tilespmem:s10], [sflag:$0xB] =	stream.linear.gather [hbm4b:s9+s7], $0x1388, $0x38;
	[tilespmem:$0x1DE20] =	vst v63  }
0x24: {  	_ =	swait.ge [sflag:s26], $0x1388  }
0x25: {  	[sflag:s26] =	ssyncset.done $0x0  }
0x26: {  	[sflag:s26] =	ssyncadd.s32 $0xFFFFEC78  }
0x27: {  	[tilespmem:s21], [sflag:$0x1] =	stream.indirect.gather [hbm4b:s3+s20], $0x40, s7, s20, $0xb8;
	[tilespmem:$0x1DE20] =	vst v63  }
0x28: {  	s26 =	simm.s32 $0x6E20  }
0x29: {  	[tilespmem:s26], [sflag:$0x1] =	stream.indirect.gather [hbm4b:s3+s22], $0x40, s20, s22, $0xb8;
	[tilespmem:$0x1DE20] =	vst v63  }
0x2a: {  	s9 =	simm.s32 $0xB220  }
0x2b: {  	[tilespmem:s9], [sflag:$0x3] =	stream.indirect.gather [hbm4b:s5+s20], $0x40, s30, s20, $0xb8;
	[tilespmem:$0x1DE20] =	vst v63  }
0x2c: {  	s26 =	simm.s32 $0x1408;
	s30 =	simm.s32 $0xD220  }
0x2d: {  	[tilespmem:s30], [sflag:$0x3] =	stream.indirect.gather [hbm4b:s5+s22], $0x40, s26, s22, $0xb8;
	[tilespmem:$0x1DE20] =	vst v63  }
0x2e: {  	_ = 	snop  }
0x2f: {  	[tilespmem:s28], [sflag:$0x5] =	stream.indirect.gather [hbm4b:s3+s20], $0x40, s31, s20, $0xb8;
	[tilespmem:$0x1DE20] =	vst v63  }
0x30: {  	s26 =	simm.s32 $0x2790;
	s30 =	simm.s32 $0x13620  }
0x31: {  	[tilespmem:s30], [sflag:$0x5] =	stream.indirect.gather [hbm4b:s3+s22], $0x40, s26, s22, $0xb8;
	[tilespmem:$0x1DE20] =	vst v63  }
0x32: {  	s31 =	simm.s32 $0x17A20  }
0x33: {  	[tilespmem:s31], [sflag:$0x7] =	stream.indirect.gather [hbm4b:s5+s20], $0x40, s10, s20, $0xb8;
	[tilespmem:$0x1DE20] =	vst v63  }
0x34: {  	s9 =	simm.s32 $0x3B18  }
0x35: {  	[tilespmem:s1], [sflag:$0x7] =	stream.indirect.gather [hbm4b:s5+s22], $0x40, s9, s22, $0xb8;
	[tilespmem:$0x1DE20] =	vst v63  }
0x36: {  	s26 =	simm.s32 $0xC8  }
0x37: {  	[tilespmem:s29], [sflag:$0x2] =	stream.indirect.gather [hbm4b:s3+s20], $0x40, s26, s20, $0xb8;
	[tilespmem:$0x1DE20] =	vst v63  }
0x38: {  	s30 =	simm.s32 $0x148;
	s31 =	simm.s32 $0xA020  }
0x39: {  	[tilespmem:s31], [sflag:$0x2] =	stream.indirect.gather [hbm4b:s3+s22], $0x40, s30, s22, $0xb8;
	[tilespmem:$0x1DE20] =	vst v63  }
0x3a: {  	s9 =	simm.s32 $0x1450;
	s26 =	simm.s32 $0xE420  }
0x3b: {  	[tilespmem:s26], [sflag:$0x4] =	stream.indirect.gather [hbm4b:s5+s20], $0x40, s9, s20, $0xb8;
	[tilespmem:$0x1DE20] =	vst v63  }
0x3c: {  	s30 =	simm.s32 $0x14D0;
	s31 =	simm.s32 $0x10420  }
0x3d: {  	[tilespmem:s31], [sflag:$0x4] =	stream.indirect.gather [hbm4b:s5+s22], $0x40, s30, s22, $0xb8;
	[tilespmem:$0x1DE20] =	vst v63  }
0x3e: {  	s26 =	simm.s32 $0x27D8  }
0x3f: {  	[tilespmem:s8], [sflag:$0x6] =	stream.indirect.gather [hbm4b:s3+s20], $0x40, s26, s20, $0xb8;
	[tilespmem:$0x1DE20] =	vst v63  }
0x40: {  	s30 =	simm.s32 $0x2858;
	s31 =	simm.s32 $0x16820  }
0x41: {  	[tilespmem:s31], [sflag:$0x6] =	stream.indirect.gather [hbm4b:s3+s22], $0x40, s30, s22, $0xb8;
	[tilespmem:$0x1DE20] =	vst v63  }
0x42: {  	s26 =	simm.s32 $0x3B60;
	s30 =	simm.s32 $0x1AC20  }
0x43: {  	[tilespmem:s30], [sflag:$0x8] =	stream.indirect.gather [hbm4b:s5+s20], $0x40, s26, s20, $0xb8;
	[tilespmem:$0x1DE20] =	vst v63  }
0x44: {  	s7 =	simm.s32 $0x0;
	s10 =	simm.s32 $0x6E20;
	s31 =	simm.s32 $0x3BE0  }
0x45: {  	[tilespmem:s17], [sflag:$0x8] =	stream.indirect.gather [hbm4b:s5+s22], $0x40, s31, s22, $0xb8;
	[tilespmem:$0x1DE20] =	vst v63  }
.LBB2_2:
0x46: {  	_ =	swait.ge [sflag:s18], $0x3200  }
0x47: {  	[sflag:s18] =	ssyncset.done $0x0  }
0x48: {  	[sflag:s18] =	ssyncadd.s32 $0xFFFFCE00  }
0x49: {  	_ =	swait.ge [sflag:s19], $0x3200  }
0x4a: {  	[sflag:s19] =	ssyncset.done $0x0  }
0x4b: {  	[sflag:s19] =	ssyncadd.s32 $0xFFFFCE00  }
0x4c: {  	_ =	swait.ge [sflag:s13], $0x3200  }
0x4d: {  	[sflag:s13] =	ssyncset.done $0x0  }
0x4e: {  	[sflag:s13] =	ssyncadd.s32 $0xFFFFCE00  }
0x4f: {  	_ =	swait.ge [sflag:s14], $0x3200  }
0x50: {  	[sflag:s14] =	ssyncset.done $0x0  }
0x51: {  	s30 =	simm.s32 $0x0;
	[sflag:s14] =	ssyncadd.s32 $0xFFFFCE00  }
0x52: {  	v6 =	vld [tilespmem:s30+$0xB220]  }
0x53: {  	v11 =	vld [tilespmem:s30+$0x17A20]  }
0x54: {  	v5 =	vld [tilespmem:s30+$0xB230]  }
0x55: {  	v4 =	vld [tilespmem:s30+$0x17A30]  }
0x56: {  	v3 =	vld [tilespmem:s30+$0xB240]  }
0x57: {  	v2 =	vld [tilespmem:s30+$0x17A40]  }
0x58: {  	v1 =	vld [tilespmem:s30+$0xB250]  }
0x59: {  	v0 =	vld [tilespmem:s30+$0x17A50]  }
0x5a: {  	v12 =	vld [tilespmem:s30+$0x4E20]  }
0x5b: {  	v13 =	vld [tilespmem:s30+$0x11620]  }
0x5c: {  	v10 =	vld [tilespmem:s30+$0x4E30]  }
0x5d: {  	v9 =	vld [tilespmem:s30+$0x11630]  }
0x5e: {  	v8 =	vld [tilespmem:s30+$0x4E40]  }
0x5f: {  	v7 =	vld [tilespmem:s30+$0x11640];
	v12 =	vadd.bf16 v6, v12  }
0x60: {  	s26 =	simm.s32 $0x100;
	v11 =	vadd.bf16 v11, v13;
	v6 =	vld [tilespmem:s30+$0x4E50]  }
.LBB2_3:
0x61: {  	s9 =	sshra.s32 s26, $0x2;
	p0 =	sne.s32 s26, $0xC700;
	[tilespmem:s30+$0x4E20] =	vst v12;
	v5 =	vadd.bf16 v5, v10;
	v10 =	vld [tilespmem:s30+$0x11650]  }
0x62: {  	v12 =	vld [tilespmem:s9+$0xB220];
	[tilespmem:s30+$0x11620] =	vst v11;
	v4 =	vadd.bf16 v4, v9  }
0x63: {  	v11 =	vld [tilespmem:s9+$0x17A20];
	[tilespmem:s30+$0x4E30] =	vst v5;
	v3 =	vadd.bf16 v3, v8  }
0x64: {  	v5 =	vld [tilespmem:s9+$0xB230];
	[tilespmem:s30+$0x11630] =	vst v4;
	v2 =	vadd.bf16 v2, v7  }
0x65: {  	v4 =	vld [tilespmem:s9+$0x17A30];
	[tilespmem:s30+$0x4E40] =	vst v3;
	v1 =	vadd.bf16 v1, v6  }
0x66: {  	v3 =	vld [tilespmem:s9+$0xB240];
	[tilespmem:s30+$0x11640] =	vst v2;
	v0 =	vadd.bf16 v0, v10  }
0x67: {  	v2 =	vld [tilespmem:s9+$0x17A40];
	[tilespmem:s30+$0x4E50] =	vst v1  }
0x68: {  	v1 =	vld [tilespmem:s9+$0xB250];
	[tilespmem:s30+$0x11650] =	vst v0;
	s30 =	smov.u32 s9  }
0x69: {  	v0 =	vld [tilespmem:s30+$0x17A50]  }
0x6a: {  	v6 =	vld [tilespmem:s30+$0x4E20]  }
0x6b: {  	v13 =	vld [tilespmem:s30+$0x11620]  }
.Ltmp0:
0x6c: {  	v10 =	vld [tilespmem:s30+$0x4E30];
	(pc) =	sbr.rel @p0 .LBB2_3-.Ltmp0, $4  }
0x6d: {  	v9 =	vld [tilespmem:s30+$0x11630]  }
0x6e: {  	v8 =	vld [tilespmem:s30+$0x4E40]  }
0x6f: {  	v12 =	vadd.bf16 v12, v6;
	v7 =	vld [tilespmem:s30+$0x11640]  }
0x70: {  	s26 =	sadd.s32 $0x100, s26;
	v11 =	vadd.bf16 v11, v13;
	v6 =	vld [tilespmem:s30+$0x4E50]  }
0x71: {  	[tilespmem:s30+$0x4E20] =	vst v12;
	v5 =	vadd.bf16 v5, v10;
	v10 =	vld [tilespmem:s30+$0x11650]  }
0x72: {  	[tilespmem:s30+$0x11620] =	vst v11;
	v4 =	vadd.bf16 v4, v9  }
0x73: {  	[tilespmem:s30+$0x4E30] =	vst v5;
	v3 =	vadd.bf16 v3, v8  }
0x74: {  	s26 =	smul.u32 $0x190, s7;
	[tilespmem:s30+$0x11630] =	vst v4;
	v2 =	vadd.bf16 v2, v7  }
0x75: {  	[tilespmem:s30+$0x4E40] =	vst v3;
	v1 =	vadd.bf16 v1, v6  }
0x76: {  	s9 =	sadd.s32 s4, s26;
	[tilespmem:s30+$0x11640] =	vst v2;
	v0 =	vadd.bf16 v0, v10  }
0x77: {  	s9 =	sshll.u32 s9, $0x4;
	[tilespmem:s30+$0x4E50] =	vst v1  }
0x78: {  	[tilespmem:s30+$0x11650] =	vst v0;
	s30 =	sadd.s32 s6, s9  }
0x79: {  	[hbm4b:s30+s15] =	stream.strided.scatter [tilespmem:s21], [sflag:$0x9], $0x3200, s20, s15, $0x38;
	[tilespmem:$0x1DE20] =	vst v63  }
0x7a: {  	s9 =	sadd.s32 s9, s11  }
0x7b: {  	[hbm4b:s9+s15] =	stream.strided.scatter [tilespmem:s28], [sflag:$0x9], $0x3200, s20, s15, $0x38;
	[tilespmem:$0x1DE20] =	vst v63  }
0x7c: {  	_ =	swait.ge [sflag:s2], $0x3200  }
0x7d: {  	[sflag:s2] =	ssyncset.done $0x0  }
0x7e: {  	[sflag:s2] =	ssyncadd.s32 $0xFFFFCE00  }
0x7f: {  	_ =	swait.ge [sflag:s2], $0x3200  }
0x80: {  	[sflag:s2] =	ssyncset.done $0x0  }
0x81: {  	s31 =	sadd.s32 $0x190, s26;
	[sflag:s2] =	ssyncadd.s32 $0xFFFFCE00  }
0x82: {  	[tilespmem:s21], [sflag:$0x1] =	stream.indirect.gather [hbm4b:s3+s20], $0x40, s31, s20, $0xb8;
	[tilespmem:$0x1DE20] =	vst v63  }
0x83: {  	s31 =	sadd.s32 $0x210, s26  }
0x84: {  	[tilespmem:s10], [sflag:$0x1] =	stream.indirect.gather [hbm4b:s3+s22], $0x40, s31, s22, $0xb8;
	[tilespmem:$0x1DE20] =	vst v63  }
0x85: {  	s30 =	simm.s32 $0xB220;
	s31 =	sadd.s32 $0x1518, s26  }
0x86: {  	[tilespmem:s30], [sflag:$0x3] =	stream.indirect.gather [hbm4b:s5+s20], $0x40, s31, s20, $0xb8;
	[tilespmem:$0x1DE20] =	vst v63  }
0x87: {  	s31 =	sadd.s32 $0x1598, s26;
	s30 =	simm.s32 $0xD220  }
0x88: {  	[tilespmem:s30], [sflag:$0x3] =	stream.indirect.gather [hbm4b:s5+s22], $0x40, s31, s22, $0xb8;
	[tilespmem:$0x1DE20] =	vst v63  }
0x89: {  	s31 =	sadd.s32 $0x28A0, s26  }
0x8a: {  	[tilespmem:s28], [sflag:$0x5] =	stream.indirect.gather [hbm4b:s3+s20], $0x40, s31, s20, $0xb8;
	[tilespmem:$0x1DE20] =	vst v63  }
0x8b: {  	s30 =	simm.s32 $0x13620;
	s31 =	sadd.s32 $0x2920, s26  }
0x8c: {  	[tilespmem:s30], [sflag:$0x5] =	stream.indirect.gather [hbm4b:s3+s22], $0x40, s31, s22, $0xb8;
	[tilespmem:$0x1DE20] =	vst v63  }
0x8d: {  	s31 =	sadd.s32 $0x3C28, s26;
	s30 =	simm.s32 $0x17A20  }
0x8e: {  	[tilespmem:s30], [sflag:$0x7] =	stream.indirect.gather [hbm4b:s5+s20], $0x40, s31, s20, $0xb8;
	[tilespmem:$0x1DE20] =	vst v63  }
0x8f: {  	s31 =	sadd.s32 $0x3CA8, s26  }
0x90: {  	[tilespmem:s1], [sflag:$0x7] =	stream.indirect.gather [hbm4b:s5+s22], $0x40, s31, s22, $0xb8;
	[tilespmem:$0x1DE20] =	vst v63  }
0x91: {  	_ =	swait.ge [sflag:s16], $0x3200  }
0x92: {  	[sflag:s16] =	ssyncset.done $0x0  }
0x93: {  	[sflag:s16] =	ssyncadd.s32 $0xFFFFCE00  }
0x94: {  	_ =	swait.ge [sflag:s25], $0x3200  }
0x95: {  	[sflag:s25] =	ssyncset.done $0x0  }
0x96: {  	[sflag:s25] =	ssyncadd.s32 $0xFFFFCE00  }
0x97: {  	_ =	swait.ge [sflag:s23], $0x3200  }
0x98: {  	[sflag:s23] =	ssyncset.done $0x0  }
0x99: {  	[sflag:s23] =	ssyncadd.s32 $0xFFFFCE00  }
0x9a: {  	_ =	swait.ge [sflag:s0], $0x3200  }
0x9b: {  	[sflag:s0] =	ssyncset.done $0x0  }
0x9c: {  	s30 =	simm.s32 $0x0;
	[sflag:s0] =	ssyncadd.s32 $0xFFFFCE00  }
0x9d: {  	v7 =	vld [tilespmem:s30+$0xE420]  }
0x9e: {  	v11 =	vld [tilespmem:s30+$0x1AC20]  }
0x9f: {  	v5 =	vld [tilespmem:s30+$0xE430]  }
0xa0: {  	v4 =	vld [tilespmem:s30+$0x1AC30]  }
0xa1: {  	v3 =	vld [tilespmem:s30+$0xE440]  }
0xa2: {  	v2 =	vld [tilespmem:s30+$0x1AC40]  }
0xa3: {  	v1 =	vld [tilespmem:s30+$0xE450]  }
0xa4: {  	v0 =	vld [tilespmem:s30+$0x1AC50]  }
0xa5: {  	v12 =	vld [tilespmem:s30+$0x8020]  }
0xa6: {  	v13 =	vld [tilespmem:s30+$0x14820]  }
0xa7: {  	v10 =	vld [tilespmem:s30+$0x8030]  }
0xa8: {  	v9 =	vld [tilespmem:s30+$0x14830]  }
0xa9: {  	v8 =	vld [tilespmem:s30+$0x8040]  }
0xaa: {  	v6 =	vld [tilespmem:s30+$0x14840];
	v12 =	vadd.bf16 v7, v12  }
0xab: {  	s9 =	simm.s32 $0x100;
	v11 =	vadd.bf16 v11, v13;
	v7 =	vld [tilespmem:s30+$0x8050]  }
.LBB2_5:
0xac: {  	s31 =	sshra.s32 s9, $0x2;
	p0 =	sne.s32 s9, $0xC700;
	[tilespmem:s30+$0x8020] =	vst v12;
	v5 =	vadd.bf16 v5, v10;
	v10 =	vld [tilespmem:s30+$0x14850]  }
0xad: {  	v12 =	vld [tilespmem:s31+$0xE420];
	[tilespmem:s30+$0x14820] =	vst v11;
	v4 =	vadd.bf16 v4, v9  }
0xae: {  	v11 =	vld [tilespmem:s31+$0x1AC20];
	[tilespmem:s30+$0x8030] =	vst v5;
	v3 =	vadd.bf16 v3, v8  }
0xaf: {  	v5 =	vld [tilespmem:s31+$0xE430];
	[tilespmem:s30+$0x14830] =	vst v4;
	v2 =	vadd.bf16 v2, v6  }
0xb0: {  	v4 =	vld [tilespmem:s31+$0x1AC30];
	[tilespmem:s30+$0x8040] =	vst v3;
	v1 =	vadd.bf16 v1, v7  }
0xb1: {  	v3 =	vld [tilespmem:s31+$0xE440];
	[tilespmem:s30+$0x14840] =	vst v2;
	v0 =	vadd.bf16 v0, v10  }
0xb2: {  	v2 =	vld [tilespmem:s31+$0x1AC40];
	[tilespmem:s30+$0x8050] =	vst v1  }
0xb3: {  	v1 =	vld [tilespmem:s31+$0xE450];
	[tilespmem:s30+$0x14850] =	vst v0;
	s30 =	smov.u32 s31  }
0xb4: {  	v0 =	vld [tilespmem:s30+$0x1AC50]  }
0xb5: {  	v6 =	vld [tilespmem:s30+$0x8020]  }
0xb6: {  	v7 =	vld [tilespmem:s30+$0x14820]  }
.Ltmp1:
0xb7: {  	v10 =	vld [tilespmem:s30+$0x8030];
	(pc) =	sbr.rel @p0 .LBB2_5-.Ltmp1, $4  }
0xb8: {  	v9 =	vld [tilespmem:s30+$0x14830]  }
0xb9: {  	v8 =	vld [tilespmem:s30+$0x8040]  }
0xba: {  	v12 =	vadd.bf16 v12, v6;
	v6 =	vld [tilespmem:s30+$0x14840]  }
0xbb: {  	s9 =	sadd.s32 $0x100, s9;
	v11 =	vadd.bf16 v11, v7;
	v7 =	vld [tilespmem:s30+$0x8050]  }
0xbc: {  	[tilespmem:s30+$0x8020] =	vst v12;
	v5 =	vadd.bf16 v5, v10;
	v63 =	vld [tilespmem:s30+$0x14850]  }
0xbd: {  	[tilespmem:s30+$0x14820] =	vst v11;
	v4 =	vadd.bf16 v4, v9  }
0xbe: {  	[tilespmem:s30+$0x8030] =	vst v5;
	v3 =	vadd.bf16 v3, v8  }
0xbf: {  	[tilespmem:s30+$0x14830] =	vst v4;
	v2 =	vadd.bf16 v2, v6  }
0xc0: {  	[tilespmem:s30+$0x8040] =	vst v3;
	v1 =	vadd.bf16 v1, v7  }
0xc1: {  	s9 =	sadd.s32 s26, s12;
	p0 =	seq.s32 s7, $0xB;
	[tilespmem:s30+$0x14840] =	vst v2;
	v0 =	vadd.bf16 v0, v63  }
.Ltmp2:
0xc2: {  	s9 =	sshll.u32 s9, $0x4;
	[tilespmem:s30+$0x8050] =	vst v1;
	(pc) =	sbr.rel @p0 .LBB2_8-.Ltmp2, $4  }
0xc3: {  	s31 =	sadd.s32 s6, s9;
	[tilespmem:s30+$0x14850] =	vst v0  }
0xc4: {  	[hbm4b:s31+s15] =	stream.strided.scatter [tilespmem:s29], [sflag:$0xA], $0x3200, s20, s15, $0x38;
	[tilespmem:$0x1DE20] =	vst v63  }
0xc5: {  	s9 =	sadd.s32 s9, s11  }
0xc6: {  	[hbm4b:s9+s15] =	stream.strided.scatter [tilespmem:s8], [sflag:$0xA], $0x3200, s20, s15, $0x38;
	[tilespmem:$0x1DE20] =	vst v63  }
0xc7: {  	_ =	swait.ge [sflag:s24], $0x3200  }
0xc8: {  	[sflag:s24] =	ssyncset.done $0x0  }
0xc9: {  	[sflag:s24] =	ssyncadd.s32 $0xFFFFCE00  }
0xca: {  	_ =	swait.ge [sflag:s24], $0x3200  }
0xcb: {  	[sflag:s24] =	ssyncset.done $0x0  }
0xcc: {  	s9 =	sadd.s32 $0x258, s26;
	[sflag:s24] =	ssyncadd.s32 $0xFFFFCE00  }
0xcd: {  	[tilespmem:s29], [sflag:$0x2] =	stream.indirect.gather [hbm4b:s3+s20], $0x40, s9, s20, $0xb8;
	[tilespmem:$0x1DE20] =	vst v63  }
0xce: {  	s31 =	sadd.s32 $0x2D8, s26;
	s30 =	simm.s32 $0xA020  }
0xcf: {  	[tilespmem:s30], [sflag:$0x2] =	stream.indirect.gather [hbm4b:s3+s22], $0x40, s31, s22, $0xb8;
	[tilespmem:$0x1DE20] =	vst v63  }
0xd0: {  	s9 =	sadd.s32 $0x15E0, s26;
	s31 =	simm.s32 $0xE420  }
0xd1: {  	[tilespmem:s31], [sflag:$0x4] =	stream.indirect.gather [hbm4b:s5+s20], $0x40, s9, s20, $0xb8;
	[tilespmem:$0x1DE20] =	vst v63  }
0xd2: {  	s9 =	sadd.s32 $0x1660, s26;
	s31 =	simm.s32 $0x10420  }
0xd3: {  	[tilespmem:s31], [sflag:$0x4] =	stream.indirect.gather [hbm4b:s5+s22], $0x40, s9, s22, $0xb8;
	[tilespmem:$0x1DE20] =	vst v63  }
0xd4: {  	s30 =	sadd.s32 $0x2968, s26  }
0xd5: {  	[tilespmem:s8], [sflag:$0x6] =	stream.indirect.gather [hbm4b:s3+s20], $0x40, s30, s20, $0xb8;
	[tilespmem:$0x1DE20] =	vst v63  }
0xd6: {  	s9 =	sadd.s32 $0x29E8, s26;
	s31 =	simm.s32 $0x16820  }
0xd7: {  	[tilespmem:s31], [sflag:$0x6] =	stream.indirect.gather [hbm4b:s3+s22], $0x40, s9, s22, $0xb8;
	[tilespmem:$0x1DE20] =	vst v63  }
.Ltmp3:
0xd8: {  	_ = 	snop;
	(pc) =	sbr.rel .LBB2_2-.Ltmp3, $4  }
0xd9: {  	s9 =	sadd.s32 $0x3CF0, s26;
	s31 =	simm.s32 $0x1AC20  }
0xda: {  	[tilespmem:s31], [sflag:$0x8] =	stream.indirect.gather [hbm4b:s5+s20], $0x40, s9, s20, $0xb8;
	[tilespmem:$0x1DE20] =	vst v63  }
0xdb: {  	s7 =	sadd.s32 $0x1, s7;
	s31 =	sadd.s32 $0x3D70, s26  }
0xdc: {  	[tilespmem:s17], [sflag:$0x8] =	stream.indirect.gather [hbm4b:s5+s22], $0x40, s31, s22, $0xb8;
	[tilespmem:$0x1DE20] =	vst v63  }
.LBB2_8:
0xdd: {  	_ =	swait.ge [sflag:s18], $0x3200  }
0xde: {  	[sflag:s18] =	ssyncset.done $0x0  }
0xdf: {  	[sflag:s18] =	ssyncadd.s32 $0xFFFFCE00  }
0xe0: {  	_ =	swait.ge [sflag:s19], $0x3200  }
0xe1: {  	[sflag:s19] =	ssyncset.done $0x0  }
0xe2: {  	[sflag:s19] =	ssyncadd.s32 $0xFFFFCE00  }
0xe3: {  	_ =	swait.ge [sflag:s13], $0x3200  }
0xe4: {  	[sflag:s13] =	ssyncset.done $0x0  }
0xe5: {  	[sflag:s13] =	ssyncadd.s32 $0xFFFFCE00  }
0xe6: {  	_ =	swait.ge [sflag:s14], $0x3200  }
0xe7: {  	[sflag:s14] =	ssyncset.done $0x0  }
0xe8: {  	s7 =	simm.s32 $0x0;
	[sflag:s14] =	ssyncadd.s32 $0xFFFFCE00  }
0xe9: {  	v7 =	vld [tilespmem:s7+$0xB220]  }
0xea: {  	v11 =	vld [tilespmem:s7+$0x17A20]  }
0xeb: {  	v5 =	vld [tilespmem:s7+$0xB230]  }
0xec: {  	v4 =	vld [tilespmem:s7+$0x17A30]  }
0xed: {  	v3 =	vld [tilespmem:s7+$0xB240]  }
0xee: {  	v2 =	vld [tilespmem:s7+$0x17A40]  }
0xef: {  	v1 =	vld [tilespmem:s7+$0xB250]  }
0xf0: {  	v0 =	vld [tilespmem:s7+$0x17A50]  }
0xf1: {  	v12 =	vld [tilespmem:s7+$0x4E20]  }
0xf2: {  	v13 =	vld [tilespmem:s7+$0x11620]  }
0xf3: {  	v10 =	vld [tilespmem:s7+$0x4E30]  }
0xf4: {  	v9 =	vld [tilespmem:s7+$0x11630]  }
0xf5: {  	v8 =	vld [tilespmem:s7+$0x4E40]  }
0xf6: {  	v6 =	vld [tilespmem:s7+$0x11640];
	v12 =	vadd.bf16 v7, v12  }
0xf7: {  	s9 =	simm.s32 $0x100;
	v11 =	vadd.bf16 v11, v13;
	v7 =	vld [tilespmem:s7+$0x4E50]  }
.LBB2_9:
0xf8: {  	s26 =	sshra.s32 s9, $0x2;
	p0 =	sne.s32 s9, $0xC700;
	[tilespmem:s7+$0x4E20] =	vst v12;
	v5 =	vadd.bf16 v5, v10;
	v10 =	vld [tilespmem:s7+$0x11650]  }
0xf9: {  	v12 =	vld [tilespmem:s26+$0xB220];
	[tilespmem:s7+$0x11620] =	vst v11;
	v4 =	vadd.bf16 v4, v9  }
0xfa: {  	v11 =	vld [tilespmem:s26+$0x17A20];
	[tilespmem:s7+$0x4E30] =	vst v5;
	v3 =	vadd.bf16 v3, v8  }
0xfb: {  	v5 =	vld [tilespmem:s26+$0xB230];
	[tilespmem:s7+$0x11630] =	vst v4;
	v2 =	vadd.bf16 v2, v6  }
0xfc: {  	v4 =	vld [tilespmem:s26+$0x17A30];
	[tilespmem:s7+$0x4E40] =	vst v3;
	v1 =	vadd.bf16 v1, v7  }
0xfd: {  	v3 =	vld [tilespmem:s26+$0xB240];
	[tilespmem:s7+$0x11640] =	vst v2;
	v0 =	vadd.bf16 v0, v10  }
0xfe: {  	v2 =	vld [tilespmem:s26+$0x17A40];
	[tilespmem:s7+$0x4E50] =	vst v1  }
0xff: {  	v1 =	vld [tilespmem:s26+$0xB250];
	[tilespmem:s7+$0x11650] =	vst v0;
	s7 =	smov.u32 s26  }
0x100: {  	v0 =	vld [tilespmem:s7+$0x17A50]  }
0x101: {  	v6 =	vld [tilespmem:s7+$0x4E20]  }
0x102: {  	v7 =	vld [tilespmem:s7+$0x11620]  }
.Ltmp4:
0x103: {  	v10 =	vld [tilespmem:s7+$0x4E30];
	(pc) =	sbr.rel @p0 .LBB2_9-.Ltmp4, $4  }
0x104: {  	v9 =	vld [tilespmem:s7+$0x11630]  }
0x105: {  	v8 =	vld [tilespmem:s7+$0x4E40]  }
0x106: {  	v12 =	vadd.bf16 v12, v6;
	v6 =	vld [tilespmem:s7+$0x11640]  }
0x107: {  	s9 =	sadd.s32 $0x100, s9;
	v11 =	vadd.bf16 v11, v7;
	v7 =	vld [tilespmem:s7+$0x4E50]  }
0x108: {  	[tilespmem:s7+$0x4E20] =	vst v12;
	v5 =	vadd.bf16 v5, v10;
	v63 =	vld [tilespmem:s7+$0x11650]  }
0x109: {  	[tilespmem:s7+$0x11620] =	vst v11;
	v4 =	vadd.bf16 v4, v9  }
0x10a: {  	[tilespmem:s7+$0x4E30] =	vst v5;
	v3 =	vadd.bf16 v3, v8  }
0x10b: {  	[tilespmem:s7+$0x11630] =	vst v4;
	v2 =	vadd.bf16 v2, v6  }
0x10c: {  	[tilespmem:s7+$0x4E40] =	vst v3;
	v1 =	vadd.bf16 v1, v7  }
0x10d: {  	[tilespmem:s7+$0x11640] =	vst v2;
	v0 =	vadd.bf16 v0, v63  }
0x10e: {  	[tilespmem:s7+$0x4E50] =	vst v1  }
0x10f: {  	s26 =	rddreg [dreg:$0x6];
	[tilespmem:s7+$0x11650] =	vst v0  }
0x110: {  	[hbm4b:s26+s15] =	stream.strided.scatter [tilespmem:s21], [sflag:$0x9], $0x3200, s20, s15, $0x38;
	[tilespmem:$0x1DE20] =	vst v63  }
0x111: {  	s30 =	rddreg [dreg:$0x7]  }
0x112: {  	[hbm4b:s30+s15] =	stream.strided.scatter [tilespmem:s28], [sflag:$0x9], $0x3200, s20, s15, $0x38;
	[tilespmem:$0x1DE20] =	vst v63  }
0x113: {  	_ =	swait.ge [sflag:s2], $0x3200  }
0x114: {  	[sflag:s2] =	ssyncset.done $0x0  }
0x115: {  	[sflag:s2] =	ssyncadd.s32 $0xFFFFCE00  }
0x116: {  	_ =	swait.ge [sflag:s2], $0x3200  }
0x117: {  	[sflag:s2] =	ssyncset.done $0x0  }
0x118: {  	[sflag:s2] =	ssyncadd.s32 $0xFFFFCE00  }
0x119: {  	_ =	swait.ge [sflag:s24], $0x3200  }
0x11a: {  	[sflag:s24] =	ssyncset.done $0x0  }
0x11b: {  	[sflag:s24] =	ssyncadd.s32 $0xFFFFCE00  }
0x11c: {  	_ =	swait.ge [sflag:s24], $0x3200  }
0x11d: {  	s9 =	rddreg [dreg:$0x9]  }
0x11e: {  	s31 =	rddreg [dreg:$0x8];
	s9 =	sadd.s32 $0x1, s9  }
0x11f: {  	p0 =	sne.s32 s9, s31  }
.Ltmp5:
0x120: {  	_ = 	snop;
	(pc) =	sbr.rel @p0 .LBB2_1-.Ltmp5, $3  }
0x121: {  	_ =	sdelay $0x1  }
0x122: {  	[sflag:s24] =	ssyncset.done $0x0  }
0x123: {  	[sflag:s24] =	ssyncadd.s32 $0xFFFFCE00  }
0x124: {  	_ =	sfence.sel $0x180000  }
0x125: {  	[bflag:$0x0] =	sbarrier.arrive $0xFFFF  }
0x126: {  	_ =	strace $0x90000047  }
0x127: {  	s0 =	stileid.u32;
	[bflag:$0x2] =	sbarrier.arrive $0xFFFF  }
0x128: {  	p0 =	sne.s32 s0, $0x0;
	s0 =	rddreg [dreg:$0x1]  }
0x129: {  	s0 =	sadd.s32 @!p0 $0x100000, s0  }
0x12a: {  	[sflag:s0] =	ssyncadd.tile.s32 @!p0 $0x1;
	_ =	shalt  }
.Lfunc_end2:
_tile_overlayer_lowered:
.L_overlay_start_2:
0x12b: {  	(tag) =	ssettag $0x2  }
0x12c: {  	s0 =	rddreg [dreg:$0x0];
	s2 =	stileid.u32  }
0x12d: {  	s1 =	rddreg [dreg:$0x1];
	p0 =	sne.s32 s2, $0x0  }
0x12e: {  	s3 =	rddreg [dreg:$0x2];
	[bflag:$0x3] =	sbarrier.arrive $0xFFFF;
	s2 =	simm.s32 @!p0 $0x1C0B  }
0x12f: {  	[timem:s3], [sflag:s2] =	dma.local @!p0 [hbm:s0], s1  }
0x130: {  	s0 =	simm.s32 @!p0 $0xB  }
0x131: {  	_ =	swait.ge @!p0 [sflag:s0], s1  }
0x132: {  	s1 =	ssub.s32 @!p0 $0x0, s1;
	[sflag:s0] =	ssyncset.done @!p0 $0x0  }
0x133: {  	[sflag:s0] =	ssyncadd.s32 @!p0 s1  }
0x134: {  	[bflag:$0x3] =	sbarrier.arrive $0xFFFF  }
0x135: {  	_ =	shalt  }

</sc_bundles>
